<compile_context>
chip_gen: v7x
topology: tpu7x:2x2x1
jax: 0.10.2.dev20260603
libtpu: 0.0.44.dev20260713+nightly
codegen_flags: <defaults>
</compile_context>

<pallas_src>
import functools

import jax
import jax.numpy as jnp
from jax import lax
from jax.experimental import pallas as pl
from jax.experimental.pallas import tpu as pltpu
from jax.experimental.pallas import tpu_sc as plsc

N = 10000
D = 128
H = 64
NG = 64
NC = 2
NS = 16
NW = NC * NS
CW = 128
GW = 1024
SUB = GW // CW
NPAD = 10112
RPS = NPAD // NS
DEGW = 16
Q0 = 89
Q1 = 68


def _deg_body(dst_hbm, ones_hbm, out_hbm, idx_v, ones_v, zb_v, acc_sh):
    cid = lax.axis_index("c")
    sid = lax.axis_index("s")
    wid = sid * NC + cid
    ch = jnp.where(cid == 0, Q0, Q1)
    pltpu.sync_copy(dst_hbm.at[wid], idx_v)
    pltpu.sync_copy(ones_hbm, ones_v)

    def zero(i, c):
        zb_v[i] = jnp.zeros((DEGW,), jnp.float32)
        return c

    lax.fori_loop(0, RPS, zero, 0)
    pltpu.sync_copy(zb_v, acc_sh.at[pl.ds(sid * RPS, RPS)])
    plsc.subcore_barrier()

    def chunk(c, carry):
        pltpu.sync_copy(ones_v, acc_sh.at[idx_v.at[c]], add=True)
        return carry

    lax.fori_loop(0, ch, chunk, 0)
    plsc.subcore_barrier()
    pltpu.sync_copy(acc_sh.at[pl.ds(sid * RPS, RPS)], zb_v)
    pltpu.sync_copy(zb_v, out_hbm.at[cid, pl.ds(sid * RPS, RPS)])


def _spmm_body(z_hbm, src_hbm, dst_hbm, out_hbm, sidx_v, didx_v, rows_v, slab_v,
               acc_sh):
    cid = lax.axis_index("c")
    sid = lax.axis_index("s")
    wid = sid * NC + cid
    nch = jnp.where(cid == 0, Q0, Q1)
    pltpu.sync_copy(src_hbm.at[wid], sidx_v)
    pltpu.sync_copy(dst_hbm.at[wid], didx_v)

    def zero(i, c):
        for j in range(H // 16):
            slab_v[i, pl.ds(16 * j, 16)] = jnp.zeros((16,), jnp.float32)
        return c

    lax.fori_loop(0, RPS, zero, 0)
    pltpu.sync_copy(slab_v, acc_sh.at[pl.ds(sid * RPS, RPS)])
    plsc.subcore_barrier()

    def chunk(c, carry):
        pltpu.sync_copy(z_hbm.at[sidx_v.at[c]], rows_v)
        pltpu.sync_copy(rows_v, acc_sh.at[didx_v.at[c]], add=True)
        return carry

    lax.fori_loop(0, nch, chunk, 0)
    plsc.subcore_barrier()
    pltpu.sync_copy(acc_sh.at[pl.ds(sid * RPS, RPS)], slab_v)
    pltpu.sync_copy(slab_v, out_hbm.at[cid, pl.ds(sid * RPS, RPS)])


@functools.cache
def _sc_mesh():
    return plsc.VectorSubcoreMesh(
        core_axis_name="c", subcore_axis_name="s", num_cores=NC, num_subcores=NS)


def _make_deg(ch):
    return pl.kernel(
        _deg_body,
        out_type=jax.ShapeDtypeStruct((NC, NPAD, DEGW), jnp.float32),
        mesh=_sc_mesh(),
        compiler_params=pltpu.CompilerParams(use_tc_tiling_on_sc=False),
        scratch_types=[
            pltpu.VMEM((ch, CW), jnp.int32),
            pltpu.VMEM((CW, DEGW), jnp.float32),
            pltpu.VMEM((RPS, DEGW), jnp.float32),
            pltpu.VMEM_SHARED((NPAD, DEGW), jnp.float32),
        ],
    )


def _make_spmm(nch):
    return pl.kernel(
        _spmm_body,
        out_type=jax.ShapeDtypeStruct((NC, NPAD, H), jnp.float32),
        mesh=_sc_mesh(),
        compiler_params=pltpu.CompilerParams(use_tc_tiling_on_sc=False),
        scratch_types=[
            pltpu.VMEM((nch, CW), jnp.int32),
            pltpu.VMEM((nch, CW), jnp.int32),
            pltpu.VMEM((CW, H), jnp.float32),
            pltpu.VMEM((RPS, H), jnp.float32),
            pltpu.VMEM_SHARED((NPAD, H), jnp.float32),
        ],
    )


def _tc0_body(x_ref, w_ref, y_ref):
    y_ref[...] = jnp.dot(x_ref[...], w_ref[...],
                         preferred_element_type=jnp.float32)


def _tc1_body(dp_ref, y_ref, z_ref, dinv_ref):
    deg = dp_ref[0, :N, 0:1] + dp_ref[1, :N, 0:1] + 1.0
    dinv = lax.rsqrt(deg)
    z_ref[...] = y_ref[...] * dinv
    dinv_ref[...] = dinv


def _tc2_body(p_ref, z_ref, dinv_ref, b_ref, w_ref, zo_ref):
    di = dinv_ref[...]
    s = p_ref[0, :N] + p_ref[1, :N] + z_ref[...]
    h = jnp.maximum(di * s + b_ref[...], 0.0)
    zo_ref[...] = jnp.dot(h, w_ref[...], preferred_element_type=jnp.float32) * di


def _tc3_body(p_ref, z_ref, dinv_ref, b_ref, batch_ref, a1_ref, ab1_ref,
              a2_ref, ab2_ref, out_ref, h_scr, g_scr):
    di = dinv_ref[...]
    s = p_ref[0, :N] + p_ref[1, :N] + z_ref[...]
    h_scr[...] = jnp.maximum(di * s + b_ref[...], 0.0)

    def seg(g, carry):
        m = batch_ref[...] == g
        mx = jnp.max(jnp.where(m, h_scr[...], -jnp.inf), axis=0, keepdims=True)
        g_scr[pl.ds(g, 1), :] = mx
        return carry

    lax.fori_loop(0, NG, seg, 0)
    g2 = jnp.maximum(
        jnp.dot(g_scr[...], a1_ref[...], preferred_element_type=jnp.float32)
        + ab1_ref[...], 0.0)
    out_ref[...] = (
        jnp.dot(g2, a2_ref[...], preferred_element_type=jnp.float32)
        + ab2_ref[...])


def kernel(x, edge_index, batch, W1, b1, W2, b2, W3, b3, A1, ab1, A2, ab2):
    assert x.shape == (N, D)
    e = edge_index.shape[1]
    cap = NS * (Q0 + Q1) * CW
    assert cap >= e
    pad_dst = (N + jnp.arange(cap - e, dtype=edge_index.dtype) % (NPAD - N))
    srcf = jnp.concatenate(
        [edge_index[0], jnp.zeros((cap - e,), edge_index.dtype)])
    dstf = jnp.concatenate([edge_index[1], pad_dst])

    def pack(flat):
        p0 = flat[:NS * Q0 * CW].reshape(NS, Q0, CW)
        p1 = flat[NS * Q0 * CW:].reshape(NS, Q1, CW)
        p1 = jnp.pad(p1, ((0, 0), (0, Q0 - Q1), (0, 0)))
        return jnp.stack([p0, p1], axis=1).reshape(NW, Q0, CW)

    src = pack(srcf)
    dst = pack(dstf)
    nch = Q0

    degp = _make_deg(nch)(dst, jnp.ones((CW, DEGW), jnp.float32))

    y1 = pl.pallas_call(
        _tc0_body, out_shape=jax.ShapeDtypeStruct((N, H), jnp.float32))(x, W1)
    z1, dinv = pl.pallas_call(
        _tc1_body,
        out_shape=(jax.ShapeDtypeStruct((N, H), jnp.float32),
                   jax.ShapeDtypeStruct((N, 1), jnp.float32)),
    )(degp, y1)

    spmm = _make_spmm(nch)
    tc2 = pl.pallas_call(
        _tc2_body, out_shape=jax.ShapeDtypeStruct((N, H), jnp.float32))

    p1 = spmm(z1, src, dst)
    z2 = tc2(p1, z1, dinv, b1.reshape(1, H), W2)
    p2 = spmm(z2, src, dst)
    z3 = tc2(p2, z2, dinv, b2.reshape(1, H), W3)
    p3 = spmm(z3, src, dst)

    out = pl.pallas_call(
        _tc3_body, out_shape=jax.ShapeDtypeStruct((NG, 1), jnp.float32),
        scratch_shapes=[pltpu.VMEM((N, H), jnp.float32),
                        pltpu.VMEM((NG, H), jnp.float32)],
    )(p3, z3, dinv, b3.reshape(1, H), batch.reshape(N, 1), A1,
      ab1.reshape(1, 16), A2, ab2.reshape(1, 1))
    return out

# --- scband reference (transcript-rebuilt; emitter-appended) ---
"""Pipeline reference for scband-gcn-net-structural-features-74577812128600 (READ-ONLY COPY).

The authoritative reference and input builder live on the scoring server;
editing this copy changes nothing except your own understanding.
"""

import jax, jax.numpy as jnp
import numpy as np

N = 10000
E = 320000
D = 128
H = 64
NG = 64


def gcn_conv(x, edge_index, W, b):
    # GCNConv: add self-loops, symmetric degree normalization, scatter-add aggregation
    n = x.shape[0]
    loop = jnp.arange(n, dtype=edge_index.dtype)
    src = jnp.concatenate([edge_index[0], loop])
    dst = jnp.concatenate([edge_index[1], loop])
    ew = jnp.ones(src.shape[0], dtype=x.dtype)
    deg = jnp.zeros(n, dtype=x.dtype).at[dst].add(ew)
    dinv = jnp.where(deg > 0, deg ** -0.5, 0.0)
    norm = dinv[src] * dinv[dst]
    xw = x @ W
    msg = xw[src] * norm[:, None]
    out = jnp.zeros((n, W.shape[1]), dtype=x.dtype).at[dst].add(msg)
    return out + b


def setup_inputs(seed: int = 0) -> dict:
    key = jax.random.key(seed)
    ks = jax.random.split(key, 16)
    x = jax.random.normal(ks[0], (N, D), dtype=jnp.float32)
    edge_index = jax.random.randint(ks[1], (2, E), 0, N, dtype=jnp.int32)
    batch = jnp.sort(jax.random.randint(ks[2], (N,), 0, NG, dtype=jnp.int32))
    s1 = 1.0 / np.sqrt(D)
    s2 = 1.0 / np.sqrt(H)
    s3 = 1.0 / np.sqrt(16)
    W1 = jax.random.uniform(ks[3], (D, H), jnp.float32, -s1, s1)
    b1 = jnp.zeros((H,), jnp.float32)
    W2 = jax.random.uniform(ks[4], (H, H), jnp.float32, -s2, s2)
    b2 = jnp.zeros((H,), jnp.float32)
    W3 = jax.random.uniform(ks[5], (H, H), jnp.float32, -s2, s2)
    b3 = jnp.zeros((H,), jnp.float32)
    A1 = jax.random.uniform(ks[6], (H, 16), jnp.float32, -s2, s2)
    ab1 = jax.random.uniform(ks[7], (16,), jnp.float32, -s2, s2)
    A2 = jax.random.uniform(ks[8], (16, 1), jnp.float32, -s3, s3)
    ab2 = jax.random.uniform(ks[9], (1,), jnp.float32, -s3, s3)
    return {"x": x, "edge_index": edge_index, "batch": batch,
            "W1": W1, "b1": b1, "W2": W2, "b2": b2, "W3": W3, "b3": b3,
            "A1": A1, "ab1": ab1, "A2": A2, "ab2": ab2}


def reference(x, edge_index, batch, W1, b1, W2, b2, W3, b3, A1, ab1, A2, ab2):
    h = jax.nn.relu(gcn_conv(x, edge_index, W1, b1))
    h = jax.nn.relu(gcn_conv(h, edge_index, W2, b2))
    h = jax.nn.relu(gcn_conv(h, edge_index, W3, b3))
    g = jax.ops.segment_max(h, batch, num_segments=NG)
    g = jax.nn.relu(g @ A1 + ab1)
    return g @ A2 + ab2

if __name__ == "__main__":
    import jax
    _d = setup_inputs()
    print(jax.jit(kernel)(*tuple(_d.values())))

</pallas_src>

<mosaic_0001>
#map = affine_map<(d0, d1) -> (0, 0, 0)>
#map1 = affine_map<(d0, d1) -> (0, 0)>
module attributes {stable_mosaic.version = 14 : i64} {
  func.func @_deg_body(%arg0: i32, %arg1: i32, %arg2: memref<32x89x128xi32, #tpu.memory_space<hbm>>, %arg3: memref<128x16xf32, #tpu.memory_space<hbm>>, %arg4: memref<2x10112x16xf32, #tpu.memory_space<hbm>>, %arg5: memref<89x128xi32, #tpu.memory_space<vmem>>, %arg6: memref<128x16xf32, #tpu.memory_space<vmem>>, %arg7: memref<632x16xf32, #tpu.memory_space<vmem>>, %arg8: memref<10112x16xf32, #tpu.memory_space<vmem_shared>>) attributes {dimension_semantics = [#tpu.dimension_semantics<core_parallel>, #tpu.dimension_semantics<subcore_parallel>], iteration_bounds = array<i64: 2, 16>, scalar_prefetch = 0 : i64, scratch_operands = 4 : i64, tpu.core_type = #tpu.core_type<sc_vector_subcore>, window_params = [{transform_indices = #map}, {transform_indices = #map1}, {transform_indices = #map}]} {
    %mul3A = arith.constant 2 : i32
    %mul3A_0 = arith.muli %arg1, %mul3A : i32
    %add3A = arith.addi %mul3A_0, %arg0 : i32
    %eq3A = arith.constant 0 : i32
    %eq3A_1 = arith.cmpi eq, %arg0, %eq3A : i32
    %jit3A = arith.constant 89 : i32
    %jit3A_2 = arith.constant 68 : i32
    %select_n3A = arith.select %eq3A_1, %jit3A, %jit3A_2 : i32
    "tpu.region"() ({
      %run_scoped3A = tpu.sem_alloc : memref<!tpu.dma_semaphore, #tpu.memory_space<semaphore_mem>>
      %dma_start3A = arith.constant 0 : i32
      %dma_start3A_24 = arith.constant 0 : i32
      %dma_start3A_25 = tpu.memref_slice %arg2[%add3A, %dma_start3A, %dma_start3A_24] : memref<32x89x128xi32, #tpu.memory_space<hbm>> -> memref<1x89x128xi32, #tpu.memory_space<hbm>>
      %dma_start3A_26 = tpu.memref_squeeze %dma_start3A_25 : memref<1x89x128xi32, #tpu.memory_space<hbm>> -> memref<89x128xi32, #tpu.memory_space<hbm>>
      %dma_start3A_27 = arith.constant 0 : i32
      %dma_start3A_28 = arith.constant 0 : i32
      %dma_start3A_29 = tpu.memref_slice %arg2[%add3A, %dma_start3A_27, %dma_start3A_28] : memref<32x89x128xi32, #tpu.memory_space<hbm>> -> memref<1x89x128xi32, #tpu.memory_space<hbm>>
      %dma_start3A_30 = tpu.memref_squeeze %dma_start3A_29 : memref<1x89x128xi32, #tpu.memory_space<hbm>> -> memref<89x128xi32, #tpu.memory_space<hbm>>
      tpu.enqueue_dma source(%dma_start3A_30 : memref<89x128xi32, #tpu.memory_space<hbm>>) target(%arg5 : memref<89x128xi32, #tpu.memory_space<vmem>>) target_semaphore(%run_scoped3A : memref<!tpu.dma_semaphore, #tpu.memory_space<semaphore_mem>>)
      %dma_wait3A = arith.constant 0 : i32
      %dma_wait3A_31 = arith.constant 0 : i32
      %dma_wait3A_32 = tpu.memref_slice %arg2[%add3A, %dma_wait3A, %dma_wait3A_31] : memref<32x89x128xi32, #tpu.memory_space<hbm>> -> memref<1x89x128xi32, #tpu.memory_space<hbm>>
      %dma_wait3A_33 = tpu.memref_squeeze %dma_wait3A_32 : memref<1x89x128xi32, #tpu.memory_space<hbm>> -> memref<89x128xi32, #tpu.memory_space<hbm>>
      %dma_wait3A_34 = arith.constant 0 : i32
      %dma_wait3A_35 = arith.constant 0 : i32
      %dma_wait3A_36 = tpu.memref_slice %arg2[%add3A, %dma_wait3A_34, %dma_wait3A_35] : memref<32x89x128xi32, #tpu.memory_space<hbm>> -> memref<1x89x128xi32, #tpu.memory_space<hbm>>
      %dma_wait3A_37 = tpu.memref_squeeze %dma_wait3A_36 : memref<1x89x128xi32, #tpu.memory_space<hbm>> -> memref<89x128xi32, #tpu.memory_space<hbm>>
      tpu.wait_dma2 semaphore(%run_scoped3A : memref<!tpu.dma_semaphore, #tpu.memory_space<semaphore_mem>>) src(%dma_wait3A_37 : memref<89x128xi32, #tpu.memory_space<hbm>>) dst(%arg5 : memref<89x128xi32, #tpu.memory_space<vmem>>)
      tpu.yield
    }) : () -> ()
    "tpu.region"() ({
      %run_scoped3A = tpu.sem_alloc : memref<!tpu.dma_semaphore, #tpu.memory_space<semaphore_mem>>
      tpu.enqueue_dma source(%arg3 : memref<128x16xf32, #tpu.memory_space<hbm>>) target(%arg6 : memref<128x16xf32, #tpu.memory_space<vmem>>) target_semaphore(%run_scoped3A : memref<!tpu.dma_semaphore, #tpu.memory_space<semaphore_mem>>)
      tpu.wait_dma2 semaphore(%run_scoped3A : memref<!tpu.dma_semaphore, #tpu.memory_space<semaphore_mem>>) src(%arg3 : memref<128x16xf32, #tpu.memory_space<hbm>>) dst(%arg6 : memref<128x16xf32, #tpu.memory_space<vmem>>)
      tpu.yield
    }) : () -> ()
    %scan3A = arith.constant 0 : i32
    %scan3A_3 = arith.constant 0 : i32
    %scan3A_4 = arith.constant 632 : i32
    %scan3A_5 = arith.addi %scan3A_3, %scan3A_4 : i32
    %scan3A_6 = arith.constant 1 : i32
    scf.for %scan3A_24 = %scan3A_3 to %scan3A_5 step %scan3A_6  : i32 {
      %broadcast_in_dim3A = arith.constant 0.000000e+00 : f32
      %broadcast_in_dim3A_25 = vector.broadcast %broadcast_in_dim3A : f32 to vector<16xf32>
      %swap3A = arith.index_cast %scan3A_24 : i32 to index
      %swap3A_26 = arith.constant 0 : index
      %swap3A_27 = tpu.vector_load %arg7[%swap3A, %swap3A_26] {strides = array<i32>} : memref<632x16xf32, #tpu.memory_space<vmem>>, vector<1x16xf32>,
      %swap3A_28 = vector.shape_cast %swap3A_27 : vector<1x16xf32> to vector<16xf32>
      %swap3A_29 = vector.shape_cast %broadcast_in_dim3A_25 : vector<16xf32> to vector<1x16xf32>
      tpu.vector_store %arg7[%swap3A, %swap3A_26], %swap3A_29 {strides = array<i32>} : memref<632x16xf32, #tpu.memory_space<vmem>>, vector<1x16xf32>,
    }
    %scan3A_7 = arith.constant 632 : i32
    %mul3A_8 = arith.constant 632 : i32
    %mul3A_9 = arith.muli %arg1, %mul3A_8 : i32
    "tpu.region"() ({
      %run_scoped3A = tpu.sem_alloc : memref<!tpu.dma_semaphore, #tpu.memory_space<semaphore_mem>>
      %dma_start3A = arith.constant 0 : i32
      %dma_start3A_24 = tpu.memref_slice %arg8[%mul3A_9, %dma_start3A] : memref<10112x16xf32, #tpu.memory_space<vmem_shared>> -> memref<632x16xf32, #tpu.memory_space<vmem_shared>>
      %dma_start3A_25 = arith.constant 0 : i32
      %dma_start3A_26 = tpu.memref_slice %arg8[%mul3A_9, %dma_start3A_25] : memref<10112x16xf32, #tpu.memory_space<vmem_shared>> -> memref<632x16xf32, #tpu.memory_space<vmem_shared>>
      tpu.enqueue_dma source(%arg7 : memref<632x16xf32, #tpu.memory_space<vmem>>) target(%dma_start3A_26 : memref<632x16xf32, #tpu.memory_space<vmem_shared>>) target_semaphore(%run_scoped3A : memref<!tpu.dma_semaphore, #tpu.memory_space<semaphore_mem>>)
      %dma_wait3A = arith.constant 0 : i32
      %dma_wait3A_27 = tpu.memref_slice %arg8[%mul3A_9, %dma_wait3A] : memref<10112x16xf32, #tpu.memory_space<vmem_shared>> -> memref<632x16xf32, #tpu.memory_space<vmem_shared>>
      %dma_wait3A_28 = arith.constant 0 : i32
      %dma_wait3A_29 = tpu.memref_slice %arg8[%mul3A_9, %dma_wait3A_28] : memref<10112x16xf32, #tpu.memory_space<vmem_shared>> -> memref<632x16xf32, #tpu.memory_space<vmem_shared>>
      tpu.wait_dma2 semaphore(%run_scoped3A : memref<!tpu.dma_semaphore, #tpu.memory_space<semaphore_mem>>) src(%arg7 : memref<632x16xf32, #tpu.memory_space<vmem>>) dst(%dma_wait3A_29 : memref<632x16xf32, #tpu.memory_space<vmem_shared>>)
      tpu.yield
    }) : () -> ()
    %barrier3A = arith.constant 0 : index
    tpu.barrier barrier_id(%barrier3A)
    %while3A = arith.constant 0 : i32
    %while3A_10 = arith.constant 0 : i32
    %while3A_11 = arith.subi %select_n3A, %while3A_10 : i32
    %while3A_12 = arith.addi %while3A_10, %while3A_11 : i32
    %while3A_13 = arith.constant 1 : i32
    %while3A_14 = arith.divsi %while3A_11, %while3A_13 : i32
    %while3A_15 = arith.muli %while3A_14, %while3A_13 : i32
    %while3A_16 = arith.addi %while3A_10, %while3A_15 : i32
    %while3A_17 = arith.constant 1 : i32
    scf.for %while3A_24 = %while3A_10 to %while3A_16 step %while3A_17  : i32 {
      "tpu.region"() ({
        %run_scoped3A = tpu.sem_alloc : memref<!tpu.dma_semaphore, #tpu.memory_space<semaphore_mem>>
        %dma_start3A = arith.constant 0 : i32
        %dma_start3A_25 = tpu.memref_slice %arg5[%while3A_24, %dma_start3A] : memref<89x128xi32, #tpu.memory_space<vmem>> -> memref<1x128xi32, #tpu.memory_space<vmem>>
        %dma_start3A_26 = tpu.memref_squeeze %dma_start3A_25 : memref<1x128xi32, #tpu.memory_space<vmem>> -> memref<128xi32, #tpu.memory_space<vmem>>
        %dma_start3A_27 = arith.constant 0 : i32
        %dma_start3A_28 = arith.constant 0 : i32
        %dma_start3A_29 = tpu.memref_slice %arg8[%dma_start3A_27, %dma_start3A_28] : memref<10112x16xf32, #tpu.memory_space<vmem_shared>> -> memref<10112x16xf32, #tpu.memory_space<vmem_shared>>
        tpu.enqueue_indirect_dma source(%arg6 : memref<128x16xf32, #tpu.memory_space<vmem>>) target(%dma_start3A_29 : memref<10112x16xf32, #tpu.memory_space<vmem_shared>>) offsets(%dma_start3A_26 : memref<128xi32, #tpu.memory_space<vmem>>) semaphore(%run_scoped3A : memref<!tpu.dma_semaphore, #tpu.memory_space<semaphore_mem>>) {add = true}
        %dma_wait3A = arith.constant 0 : i32
        %dma_wait3A_30 = tpu.memref_slice %arg5[%while3A_24, %dma_wait3A] : memref<89x128xi32, #tpu.memory_space<vmem>> -> memref<1x128xi32, #tpu.memory_space<vmem>>
        %dma_wait3A_31 = tpu.memref_squeeze %dma_wait3A_30 : memref<1x128xi32, #tpu.memory_space<vmem>> -> memref<128xi32, #tpu.memory_space<vmem>>
        %dma_wait3A_32 = arith.constant 0 : i32
        %dma_wait3A_33 = arith.constant 0 : i32
        %dma_wait3A_34 = tpu.memref_slice %arg8[%dma_wait3A_32, %dma_wait3A_33] : memref<10112x16xf32, #tpu.memory_space<vmem_shared>> -> memref<10112x16xf32, #tpu.memory_space<vmem_shared>>
        tpu.wait_indirect_dma semaphore(%run_scoped3A : memref<!tpu.dma_semaphore, #tpu.memory_space<semaphore_mem>>) src(%arg6 : memref<128x16xf32, #tpu.memory_space<vmem>>) dst(%dma_wait3A_34 : memref<10112x16xf32, #tpu.memory_space<vmem_shared>>)
        tpu.yield
      }) : () -> ()
    }
    %while3A_18 = arith.constant 1 : i32
    scf.for %while3A_24 = %while3A_16 to %while3A_12 step %while3A_18  : i32 {
      "tpu.region"() ({
        %run_scoped3A = tpu.sem_alloc : memref<!tpu.dma_semaphore, #tpu.memory_space<semaphore_mem>>
        %dma_start3A = arith.constant 0 : i32
        %dma_start3A_25 = tpu.memref_slice %arg5[%while3A_24, %dma_start3A] : memref<89x128xi32, #tpu.memory_space<vmem>> -> memref<1x128xi32, #tpu.memory_space<vmem>>
        %dma_start3A_26 = tpu.memref_squeeze %dma_start3A_25 : memref<1x128xi32, #tpu.memory_space<vmem>> -> memref<128xi32, #tpu.memory_space<vmem>>
        %dma_start3A_27 = arith.constant 0 : i32
        %dma_start3A_28 = arith.constant 0 : i32
        %dma_start3A_29 = tpu.memref_slice %arg8[%dma_start3A_27, %dma_start3A_28] : memref<10112x16xf32, #tpu.memory_space<vmem_shared>> -> memref<10112x16xf32, #tpu.memory_space<vmem_shared>>
        tpu.enqueue_indirect_dma source(%arg6 : memref<128x16xf32, #tpu.memory_space<vmem>>) target(%dma_start3A_29 : memref<10112x16xf32, #tpu.memory_space<vmem_shared>>) offsets(%dma_start3A_26 : memref<128xi32, #tpu.memory_space<vmem>>) semaphore(%run_scoped3A : memref<!tpu.dma_semaphore, #tpu.memory_space<semaphore_mem>>) {add = true}
        %dma_wait3A = arith.constant 0 : i32
        %dma_wait3A_30 = tpu.memref_slice %arg5[%while3A_24, %dma_wait3A] : memref<89x128xi32, #tpu.memory_space<vmem>> -> memref<1x128xi32, #tpu.memory_space<vmem>>
        %dma_wait3A_31 = tpu.memref_squeeze %dma_wait3A_30 : memref<1x128xi32, #tpu.memory_space<vmem>> -> memref<128xi32, #tpu.memory_space<vmem>>
        %dma_wait3A_32 = arith.constant 0 : i32
        %dma_wait3A_33 = arith.constant 0 : i32
        %dma_wait3A_34 = tpu.memref_slice %arg8[%dma_wait3A_32, %dma_wait3A_33] : memref<10112x16xf32, #tpu.memory_space<vmem_shared>> -> memref<10112x16xf32, #tpu.memory_space<vmem_shared>>
        tpu.wait_indirect_dma semaphore(%run_scoped3A : memref<!tpu.dma_semaphore, #tpu.memory_space<semaphore_mem>>) src(%arg6 : memref<128x16xf32, #tpu.memory_space<vmem>>) dst(%dma_wait3A_34 : memref<10112x16xf32, #tpu.memory_space<vmem_shared>>)
        tpu.yield
      }) : () -> ()
    }
    %barrier3A_19 = arith.constant 0 : index
    tpu.barrier barrier_id(%barrier3A_19)
    %mul3A_20 = arith.constant 632 : i32
    %mul3A_21 = arith.muli %arg1, %mul3A_20 : i32
    "tpu.region"() ({
      %run_scoped3A = tpu.sem_alloc : memref<!tpu.dma_semaphore, #tpu.memory_space<semaphore_mem>>
      %dma_start3A = arith.constant 0 : i32
      %dma_start3A_24 = tpu.memref_slice %arg8[%mul3A_21, %dma_start3A] : memref<10112x16xf32, #tpu.memory_space<vmem_shared>> -> memref<632x16xf32, #tpu.memory_space<vmem_shared>>
      %dma_start3A_25 = arith.constant 0 : i32
      %dma_start3A_26 = tpu.memref_slice %arg8[%mul3A_21, %dma_start3A_25] : memref<10112x16xf32, #tpu.memory_space<vmem_shared>> -> memref<632x16xf32, #tpu.memory_space<vmem_shared>>
      tpu.enqueue_dma source(%dma_start3A_26 : memref<632x16xf32, #tpu.memory_space<vmem_shared>>) target(%arg7 : memref<632x16xf32, #tpu.memory_space<vmem>>) target_semaphore(%run_scoped3A : memref<!tpu.dma_semaphore, #tpu.memory_space<semaphore_mem>>)
      %dma_wait3A = arith.constant 0 : i32
      %dma_wait3A_27 = tpu.memref_slice %arg8[%mul3A_21, %dma_wait3A] : memref<10112x16xf32, #tpu.memory_space<vmem_shared>> -> memref<632x16xf32, #tpu.memory_space<vmem_shared>>
      %dma_wait3A_28 = arith.constant 0 : i32
      %dma_wait3A_29 = tpu.memref_slice %arg8[%mul3A_21, %dma_wait3A_28] : memref<10112x16xf32, #tpu.memory_space<vmem_shared>> -> memref<632x16xf32, #tpu.memory_space<vmem_shared>>
      tpu.wait_dma2 semaphore(%run_scoped3A : memref<!tpu.dma_semaphore, #tpu.memory_space<semaphore_mem>>) src(%dma_wait3A_29 : memref<632x16xf32, #tpu.memory_space<vmem_shared>>) dst(%arg7 : memref<632x16xf32, #tpu.memory_space<vmem>>)
      tpu.yield
    }) : () -> ()
    %mul3A_22 = arith.constant 632 : i32
    %mul3A_23 = arith.muli %arg1, %mul3A_22 : i32
    "tpu.region"() ({
      %run_scoped3A = tpu.sem_alloc : memref<!tpu.dma_semaphore, #tpu.memory_space<semaphore_mem>>
      %dma_start3A = arith.constant 0 : i32
      %dma_start3A_24 = tpu.memref_slice %arg4[%arg0, %mul3A_23, %dma_start3A] : memref<2x10112x16xf32, #tpu.memory_space<hbm>> -> memref<1x632x16xf32, #tpu.memory_space<hbm>>
      %dma_start3A_25 = tpu.memref_squeeze %dma_start3A_24 : memref<1x632x16xf32, #tpu.memory_space<hbm>> -> memref<632x16xf32, #tpu.memory_space<hbm>>
      %dma_start3A_26 = arith.constant 0 : i32
      %dma_start3A_27 = tpu.memref_slice %arg4[%arg0, %mul3A_23, %dma_start3A_26] : memref<2x10112x16xf32, #tpu.memory_space<hbm>> -> memref<1x632x16xf32, #tpu.memory_space<hbm>>
      %dma_start3A_28 = tpu.memref_squeeze %dma_start3A_27 : memref<1x632x16xf32, #tpu.memory_space<hbm>> -> memref<632x16xf32, #tpu.memory_space<hbm>>
      tpu.enqueue_dma source(%arg7 : memref<632x16xf32, #tpu.memory_space<vmem>>) target(%dma_start3A_28 : memref<632x16xf32, #tpu.memory_space<hbm>>) target_semaphore(%run_scoped3A : memref<!tpu.dma_semaphore, #tpu.memory_space<semaphore_mem>>)
      %dma_wait3A = arith.constant 0 : i32
      %dma_wait3A_29 = tpu.memref_slice %arg4[%arg0, %mul3A_23, %dma_wait3A] : memref<2x10112x16xf32, #tpu.memory_space<hbm>> -> memref<1x632x16xf32, #tpu.memory_space<hbm>>
      %dma_wait3A_30 = tpu.memref_squeeze %dma_wait3A_29 : memref<1x632x16xf32, #tpu.memory_space<hbm>> -> memref<632x16xf32, #tpu.memory_space<hbm>>
      %dma_wait3A_31 = arith.constant 0 : i32
      %dma_wait3A_32 = tpu.memref_slice %arg4[%arg0, %mul3A_23, %dma_wait3A_31] : memref<2x10112x16xf32, #tpu.memory_space<hbm>> -> memref<1x632x16xf32, #tpu.memory_space<hbm>>
      %dma_wait3A_33 = tpu.memref_squeeze %dma_wait3A_32 : memref<1x632x16xf32, #tpu.memory_space<hbm>> -> memref<632x16xf32, #tpu.memory_space<hbm>>
      tpu.wait_dma2 semaphore(%run_scoped3A : memref<!tpu.dma_semaphore, #tpu.memory_space<semaphore_mem>>) src(%arg7 : memref<632x16xf32, #tpu.memory_space<vmem>>) dst(%dma_wait3A_33 : memref<632x16xf32, #tpu.memory_space<hbm>>)
      tpu.yield
    }) : () -> ()
    return
  }
}

#map = affine_map<(d0, d1) -> (0, 0)>
#map1 = affine_map<(d0, d1) -> (0, 0, 0)>
module attributes {stable_mosaic.version = 14 : i64} {
  func.func @_spmm_body(%arg0: i32, %arg1: i32, %arg2: memref<10000x64xf32, #tpu.memory_space<hbm>>, %arg3: memref<32x89x128xi32, #tpu.memory_space<hbm>>, %arg4: memref<32x89x128xi32, #tpu.memory_space<hbm>>, %arg5: memref<2x10112x64xf32, #tpu.memory_space<hbm>>, %arg6: memref<89x128xi32, #tpu.memory_space<vmem>>, %arg7: memref<89x128xi32, #tpu.memory_space<vmem>>, %arg8: memref<128x64xf32, #tpu.memory_space<vmem>>, %arg9: memref<632x64xf32, #tpu.memory_space<vmem>>, %arg10: memref<10112x64xf32, #tpu.memory_space<vmem_shared>>) attributes {dimension_semantics = [#tpu.dimension_semantics<core_parallel>, #tpu.dimension_semantics<subcore_parallel>], iteration_bounds = array<i64: 2, 16>, scalar_prefetch = 0 : i64, scratch_operands = 5 : i64, tpu.core_type = #tpu.core_type<sc_vector_subcore>, window_params = [{transform_indices = #map}, {transform_indices = #map1}, {transform_indices = #map1}, {transform_indices = #map1}]} {
    %mul3A = arith.constant 2 : i32
    %mul3A_0 = arith.muli %arg1, %mul3A : i32
    %add3A = arith.addi %mul3A_0, %arg0 : i32
    %eq3A = arith.constant 0 : i32
    %eq3A_1 = arith.cmpi eq, %arg0, %eq3A : i32
    %jit3A = arith.constant 89 : i32
    %jit3A_2 = arith.constant 68 : i32
    %select_n3A = arith.select %eq3A_1, %jit3A, %jit3A_2 : i32
    "tpu.region"() ({
      %run_scoped3A = tpu.sem_alloc : memref<!tpu.dma_semaphore, #tpu.memory_space<semaphore_mem>>
      %dma_start3A = arith.constant 0 : i32
      %dma_start3A_24 = arith.constant 0 : i32
      %dma_start3A_25 = tpu.memref_slice %arg3[%add3A, %dma_start3A, %dma_start3A_24] : memref<32x89x128xi32, #tpu.memory_space<hbm>> -> memref<1x89x128xi32, #tpu.memory_space<hbm>>
      %dma_start3A_26 = tpu.memref_squeeze %dma_start3A_25 : memref<1x89x128xi32, #tpu.memory_space<hbm>> -> memref<89x128xi32, #tpu.memory_space<hbm>>
      %dma_start3A_27 = arith.constant 0 : i32
      %dma_start3A_28 = arith.constant 0 : i32
      %dma_start3A_29 = tpu.memref_slice %arg3[%add3A, %dma_start3A_27, %dma_start3A_28] : memref<32x89x128xi32, #tpu.memory_space<hbm>> -> memref<1x89x128xi32, #tpu.memory_space<hbm>>
      %dma_start3A_30 = tpu.memref_squeeze %dma_start3A_29 : memref<1x89x128xi32, #tpu.memory_space<hbm>> -> memref<89x128xi32, #tpu.memory_space<hbm>>
      tpu.enqueue_dma source(%dma_start3A_30 : memref<89x128xi32, #tpu.memory_space<hbm>>) target(%arg6 : memref<89x128xi32, #tpu.memory_space<vmem>>) target_semaphore(%run_scoped3A : memref<!tpu.dma_semaphore, #tpu.memory_space<semaphore_mem>>)
      %dma_wait3A = arith.constant 0 : i32
      %dma_wait3A_31 = arith.constant 0 : i32
      %dma_wait3A_32 = tpu.memref_slice %arg3[%add3A, %dma_wait3A, %dma_wait3A_31] : memref<32x89x128xi32, #tpu.memory_space<hbm>> -> memref<1x89x128xi32, #tpu.memory_space<hbm>>
      %dma_wait3A_33 = tpu.memref_squeeze %dma_wait3A_32 : memref<1x89x128xi32, #tpu.memory_space<hbm>> -> memref<89x128xi32, #tpu.memory_space<hbm>>
      %dma_wait3A_34 = arith.constant 0 : i32
      %dma_wait3A_35 = arith.constant 0 : i32
      %dma_wait3A_36 = tpu.memref_slice %arg3[%add3A, %dma_wait3A_34, %dma_wait3A_35] : memref<32x89x128xi32, #tpu.memory_space<hbm>> -> memref<1x89x128xi32, #tpu.memory_space<hbm>>
      %dma_wait3A_37 = tpu.memref_squeeze %dma_wait3A_36 : memref<1x89x128xi32, #tpu.memory_space<hbm>> -> memref<89x128xi32, #tpu.memory_space<hbm>>
      tpu.wait_dma2 semaphore(%run_scoped3A : memref<!tpu.dma_semaphore, #tpu.memory_space<semaphore_mem>>) src(%dma_wait3A_37 : memref<89x128xi32, #tpu.memory_space<hbm>>) dst(%arg6 : memref<89x128xi32, #tpu.memory_space<vmem>>)
      tpu.yield
    }) : () -> ()
    "tpu.region"() ({
      %run_scoped3A = tpu.sem_alloc : memref<!tpu.dma_semaphore, #tpu.memory_space<semaphore_mem>>
      %dma_start3A = arith.constant 0 : i32
      %dma_start3A_24 = arith.constant 0 : i32
      %dma_start3A_25 = tpu.memref_slice %arg4[%add3A, %dma_start3A, %dma_start3A_24] : memref<32x89x128xi32, #tpu.memory_space<hbm>> -> memref<1x89x128xi32, #tpu.memory_space<hbm>>
      %dma_start3A_26 = tpu.memref_squeeze %dma_start3A_25 : memref<1x89x128xi32, #tpu.memory_space<hbm>> -> memref<89x128xi32, #tpu.memory_space<hbm>>
      %dma_start3A_27 = arith.constant 0 : i32
      %dma_start3A_28 = arith.constant 0 : i32
      %dma_start3A_29 = tpu.memref_slice %arg4[%add3A, %dma_start3A_27, %dma_start3A_28] : memref<32x89x128xi32, #tpu.memory_space<hbm>> -> memref<1x89x128xi32, #tpu.memory_space<hbm>>
      %dma_start3A_30 = tpu.memref_squeeze %dma_start3A_29 : memref<1x89x128xi32, #tpu.memory_space<hbm>> -> memref<89x128xi32, #tpu.memory_space<hbm>>
      tpu.enqueue_dma source(%dma_start3A_30 : memref<89x128xi32, #tpu.memory_space<hbm>>) target(%arg7 : memref<89x128xi32, #tpu.memory_space<vmem>>) target_semaphore(%run_scoped3A : memref<!tpu.dma_semaphore, #tpu.memory_space<semaphore_mem>>)
      %dma_wait3A = arith.constant 0 : i32
      %dma_wait3A_31 = arith.constant 0 : i32
      %dma_wait3A_32 = tpu.memref_slice %arg4[%add3A, %dma_wait3A, %dma_wait3A_31] : memref<32x89x128xi32, #tpu.memory_space<hbm>> -> memref<1x89x128xi32, #tpu.memory_space<hbm>>
      %dma_wait3A_33 = tpu.memref_squeeze %dma_wait3A_32 : memref<1x89x128xi32, #tpu.memory_space<hbm>> -> memref<89x128xi32, #tpu.memory_space<hbm>>
      %dma_wait3A_34 = arith.constant 0 : i32
      %dma_wait3A_35 = arith.constant 0 : i32
      %dma_wait3A_36 = tpu.memref_slice %arg4[%add3A, %dma_wait3A_34, %dma_wait3A_35] : memref<32x89x128xi32, #tpu.memory_space<hbm>> -> memref<1x89x128xi32, #tpu.memory_space<hbm>>
      %dma_wait3A_37 = tpu.memref_squeeze %dma_wait3A_36 : memref<1x89x128xi32, #tpu.memory_space<hbm>> -> memref<89x128xi32, #tpu.memory_space<hbm>>
      tpu.wait_dma2 semaphore(%run_scoped3A : memref<!tpu.dma_semaphore, #tpu.memory_space<semaphore_mem>>) src(%dma_wait3A_37 : memref<89x128xi32, #tpu.memory_space<hbm>>) dst(%arg7 : memref<89x128xi32, #tpu.memory_space<vmem>>)
      tpu.yield
    }) : () -> ()
    %scan3A = arith.constant 0 : i32
    %scan3A_3 = arith.constant 0 : i32
    %scan3A_4 = arith.constant 632 : i32
    %scan3A_5 = arith.addi %scan3A_3, %scan3A_4 : i32
    %scan3A_6 = arith.constant 1 : i32
    scf.for %scan3A_24 = %scan3A_3 to %scan3A_5 step %scan3A_6  : i32 {
      %broadcast_in_dim3A = arith.constant 0.000000e+00 : f32
      %broadcast_in_dim3A_25 = vector.broadcast %broadcast_in_dim3A : f32 to vector<16xf32>
      %swap3A = arith.index_cast %scan3A_24 : i32 to index
      %swap3A_26 = arith.constant 0 : index
      %swap3A_27 = tpu.vector_load %arg9[%swap3A, %swap3A_26] {strides = array<i32>} : memref<632x64xf32, #tpu.memory_space<vmem>>, vector<1x16xf32>,
      %swap3A_28 = vector.shape_cast %swap3A_27 : vector<1x16xf32> to vector<16xf32>
      %swap3A_29 = vector.shape_cast %broadcast_in_dim3A_25 : vector<16xf32> to vector<1x16xf32>
      tpu.vector_store %arg9[%swap3A, %swap3A_26], %swap3A_29 {strides = array<i32>} : memref<632x64xf32, #tpu.memory_space<vmem>>, vector<1x16xf32>,
      %broadcast_in_dim3A_30 = arith.constant 0.000000e+00 : f32
      %broadcast_in_dim3A_31 = vector.broadcast %broadcast_in_dim3A_30 : f32 to vector<16xf32>
      %swap3A_32 = arith.index_cast %scan3A_24 : i32 to index
      %swap3A_33 = arith.constant 16 : index
      %swap3A_34 = tpu.vector_load %arg9[%swap3A_32, %swap3A_33] {strides = array<i32>} : memref<632x64xf32, #tpu.memory_space<vmem>>, vector<1x16xf32>,
      %swap3A_35 = vector.shape_cast %swap3A_34 : vector<1x16xf32> to vector<16xf32>
      %swap3A_36 = vector.shape_cast %broadcast_in_dim3A_31 : vector<16xf32> to vector<1x16xf32>
      tpu.vector_store %arg9[%swap3A_32, %swap3A_33], %swap3A_36 {strides = array<i32>} : memref<632x64xf32, #tpu.memory_space<vmem>>, vector<1x16xf32>,
      %broadcast_in_dim3A_37 = arith.constant 0.000000e+00 : f32
      %broadcast_in_dim3A_38 = vector.broadcast %broadcast_in_dim3A_37 : f32 to vector<16xf32>
      %swap3A_39 = arith.index_cast %scan3A_24 : i32 to index
      %swap3A_40 = arith.constant 32 : index
      %swap3A_41 = tpu.vector_load %arg9[%swap3A_39, %swap3A_40] {strides = array<i32>} : memref<632x64xf32, #tpu.memory_space<vmem>>, vector<1x16xf32>,
      %swap3A_42 = vector.shape_cast %swap3A_41 : vector<1x16xf32> to vector<16xf32>
      %swap3A_43 = vector.shape_cast %broadcast_in_dim3A_38 : vector<16xf32> to vector<1x16xf32>
      tpu.vector_store %arg9[%swap3A_39, %swap3A_40], %swap3A_43 {strides = array<i32>} : memref<632x64xf32, #tpu.memory_space<vmem>>, vector<1x16xf32>,
      %broadcast_in_dim3A_44 = arith.constant 0.000000e+00 : f32
      %broadcast_in_dim3A_45 = vector.broadcast %broadcast_in_dim3A_44 : f32 to vector<16xf32>
      %swap3A_46 = arith.index_cast %scan3A_24 : i32 to index
      %swap3A_47 = arith.constant 48 : index
      %swap3A_48 = tpu.vector_load %arg9[%swap3A_46, %swap3A_47] {strides = array<i32>} : memref<632x64xf32, #tpu.memory_space<vmem>>, vector<1x16xf32>,
      %swap3A_49 = vector.shape_cast %swap3A_48 : vector<1x16xf32> to vector<16xf32>
      %swap3A_50 = vector.shape_cast %broadcast_in_dim3A_45 : vector<16xf32> to vector<1x16xf32>
      tpu.vector_store %arg9[%swap3A_46, %swap3A_47], %swap3A_50 {strides = array<i32>} : memref<632x64xf32, #tpu.memory_space<vmem>>, vector<1x16xf32>,
    }
    %scan3A_7 = arith.constant 632 : i32
    %mul3A_8 = arith.constant 632 : i32
    %mul3A_9 = arith.muli %arg1, %mul3A_8 : i32
    "tpu.region"() ({
      %run_scoped3A = tpu.sem_alloc : memref<!tpu.dma_semaphore, #tpu.memory_space<semaphore_mem>>
      %dma_start3A = arith.constant 0 : i32
      %dma_start3A_24 = tpu.memref_slice %arg10[%mul3A_9, %dma_start3A] : memref<10112x64xf32, #tpu.memory_space<vmem_shared>> -> memref<632x64xf32, #tpu.memory_space<vmem_shared>>
      %dma_start3A_25 = arith.constant 0 : i32
      %dma_start3A_26 = tpu.memref_slice %arg10[%mul3A_9, %dma_start3A_25] : memref<10112x64xf32, #tpu.memory_space<vmem_shared>> -> memref<632x64xf32, #tpu.memory_space<vmem_shared>>
      tpu.enqueue_dma source(%arg9 : memref<632x64xf32, #tpu.memory_space<vmem>>) target(%dma_start3A_26 : memref<632x64xf32, #tpu.memory_space<vmem_shared>>) target_semaphore(%run_scoped3A : memref<!tpu.dma_semaphore, #tpu.memory_space<semaphore_mem>>)
      %dma_wait3A = arith.constant 0 : i32
      %dma_wait3A_27 = tpu.memref_slice %arg10[%mul3A_9, %dma_wait3A] : memref<10112x64xf32, #tpu.memory_space<vmem_shared>> -> memref<632x64xf32, #tpu.memory_space<vmem_shared>>
      %dma_wait3A_28 = arith.constant 0 : i32
      %dma_wait3A_29 = tpu.memref_slice %arg10[%mul3A_9, %dma_wait3A_28] : memref<10112x64xf32, #tpu.memory_space<vmem_shared>> -> memref<632x64xf32, #tpu.memory_space<vmem_shared>>
      tpu.wait_dma2 semaphore(%run_scoped3A : memref<!tpu.dma_semaphore, #tpu.memory_space<semaphore_mem>>) src(%arg9 : memref<632x64xf32, #tpu.memory_space<vmem>>) dst(%dma_wait3A_29 : memref<632x64xf32, #tpu.memory_space<vmem_shared>>)
      tpu.yield
    }) : () -> ()
    %barrier3A = arith.constant 0 : index
    tpu.barrier barrier_id(%barrier3A)
    %while3A = arith.constant 0 : i32
    %while3A_10 = arith.constant 0 : i32
    %while3A_11 = arith.subi %select_n3A, %while3A_10 : i32
    %while3A_12 = arith.addi %while3A_10, %while3A_11 : i32
    %while3A_13 = arith.constant 1 : i32
    %while3A_14 = arith.divsi %while3A_11, %while3A_13 : i32
    %while3A_15 = arith.muli %while3A_14, %while3A_13 : i32
    %while3A_16 = arith.addi %while3A_10, %while3A_15 : i32
    %while3A_17 = arith.constant 1 : i32
    scf.for %while3A_24 = %while3A_10 to %while3A_16 step %while3A_17  : i32 {
      "tpu.region"() ({
        %run_scoped3A = tpu.sem_alloc : memref<!tpu.dma_semaphore, #tpu.memory_space<semaphore_mem>>
        %dma_start3A = arith.constant 0 : i32
        %dma_start3A_25 = tpu.memref_slice %arg6[%while3A_24, %dma_start3A] : memref<89x128xi32, #tpu.memory_space<vmem>> -> memref<1x128xi32, #tpu.memory_space<vmem>>
        %dma_start3A_26 = tpu.memref_squeeze %dma_start3A_25 : memref<1x128xi32, #tpu.memory_space<vmem>> -> memref<128xi32, #tpu.memory_space<vmem>>
        %dma_start3A_27 = arith.constant 0 : i32
        %dma_start3A_28 = arith.constant 0 : i32
        %dma_start3A_29 = tpu.memref_slice %arg2[%dma_start3A_27, %dma_start3A_28] : memref<10000x64xf32, #tpu.memory_space<hbm>> -> memref<10000x64xf32, #tpu.memory_space<hbm>>
        tpu.enqueue_indirect_dma source(%dma_start3A_29 : memref<10000x64xf32, #tpu.memory_space<hbm>>) target(%arg8 : memref<128x64xf32, #tpu.memory_space<vmem>>) offsets(%dma_start3A_26 : memref<128xi32, #tpu.memory_space<vmem>>) semaphore(%run_scoped3A : memref<!tpu.dma_semaphore, #tpu.memory_space<semaphore_mem>>)
        %dma_wait3A = arith.constant 0 : i32
        %dma_wait3A_30 = tpu.memref_slice %arg6[%while3A_24, %dma_wait3A] : memref<89x128xi32, #tpu.memory_space<vmem>> -> memref<1x128xi32, #tpu.memory_space<vmem>>
        %dma_wait3A_31 = tpu.memref_squeeze %dma_wait3A_30 : memref<1x128xi32, #tpu.memory_space<vmem>> -> memref<128xi32, #tpu.memory_space<vmem>>
        %dma_wait3A_32 = arith.constant 0 : i32
        %dma_wait3A_33 = arith.constant 0 : i32
        %dma_wait3A_34 = tpu.memref_slice %arg2[%dma_wait3A_32, %dma_wait3A_33] : memref<10000x64xf32, #tpu.memory_space<hbm>> -> memref<10000x64xf32, #tpu.memory_space<hbm>>
        tpu.wait_indirect_dma semaphore(%run_scoped3A : memref<!tpu.dma_semaphore, #tpu.memory_space<semaphore_mem>>) src(%dma_wait3A_34 : memref<10000x64xf32, #tpu.memory_space<hbm>>) dst(%arg8 : memref<128x64xf32, #tpu.memory_space<vmem>>)
        tpu.yield
      }) : () -> ()
      "tpu.region"() ({
        %run_scoped3A = tpu.sem_alloc : memref<!tpu.dma_semaphore, #tpu.memory_space<semaphore_mem>>
        %dma_start3A = arith.constant 0 : i32
        %dma_start3A_25 = tpu.memref_slice %arg7[%while3A_24, %dma_start3A] : memref<89x128xi32, #tpu.memory_space<vmem>> -> memref<1x128xi32, #tpu.memory_space<vmem>>
        %dma_start3A_26 = tpu.memref_squeeze %dma_start3A_25 : memref<1x128xi32, #tpu.memory_space<vmem>> -> memref<128xi32, #tpu.memory_space<vmem>>
        %dma_start3A_27 = arith.constant 0 : i32
        %dma_start3A_28 = arith.constant 0 : i32
        %dma_start3A_29 = tpu.memref_slice %arg10[%dma_start3A_27, %dma_start3A_28] : memref<10112x64xf32, #tpu.memory_space<vmem_shared>> -> memref<10112x64xf32, #tpu.memory_space<vmem_shared>>
        tpu.enqueue_indirect_dma source(%arg8 : memref<128x64xf32, #tpu.memory_space<vmem>>) target(%dma_start3A_29 : memref<10112x64xf32, #tpu.memory_space<vmem_shared>>) offsets(%dma_start3A_26 : memref<128xi32, #tpu.memory_space<vmem>>) semaphore(%run_scoped3A : memref<!tpu.dma_semaphore, #tpu.memory_space<semaphore_mem>>) {add = true}
        %dma_wait3A = arith.constant 0 : i32
        %dma_wait3A_30 = tpu.memref_slice %arg7[%while3A_24, %dma_wait3A] : memref<89x128xi32, #tpu.memory_space<vmem>> -> memref<1x128xi32, #tpu.memory_space<vmem>>
        %dma_wait3A_31 = tpu.memref_squeeze %dma_wait3A_30 : memref<1x128xi32, #tpu.memory_space<vmem>> -> memref<128xi32, #tpu.memory_space<vmem>>
        %dma_wait3A_32 = arith.constant 0 : i32
        %dma_wait3A_33 = arith.constant 0 : i32
        %dma_wait3A_34 = tpu.memref_slice %arg10[%dma_wait3A_32, %dma_wait3A_33] : memref<10112x64xf32, #tpu.memory_space<vmem_shared>> -> memref<10112x64xf32, #tpu.memory_space<vmem_shared>>
        tpu.wait_indirect_dma semaphore(%run_scoped3A : memref<!tpu.dma_semaphore, #tpu.memory_space<semaphore_mem>>) src(%arg8 : memref<128x64xf32, #tpu.memory_space<vmem>>) dst(%dma_wait3A_34 : memref<10112x64xf32, #tpu.memory_space<vmem_shared>>)
        tpu.yield
      }) : () -> ()
    }
    %while3A_18 = arith.constant 1 : i32
    scf.for %while3A_24 = %while3A_16 to %while3A_12 step %while3A_18  : i32 {
      "tpu.region"() ({
        %run_scoped3A = tpu.sem_alloc : memref<!tpu.dma_semaphore, #tpu.memory_space<semaphore_mem>>
        %dma_start3A = arith.constant 0 : i32
        %dma_start3A_25 = tpu.memref_slice %arg6[%while3A_24, %dma_start3A] : memref<89x128xi32, #tpu.memory_space<vmem>> -> memref<1x128xi32, #tpu.memory_space<vmem>>
        %dma_start3A_26 = tpu.memref_squeeze %dma_start3A_25 : memref<1x128xi32, #tpu.memory_space<vmem>> -> memref<128xi32, #tpu.memory_space<vmem>>
        %dma_start3A_27 = arith.constant 0 : i32
        %dma_start3A_28 = arith.constant 0 : i32
        %dma_start3A_29 = tpu.memref_slice %arg2[%dma_start3A_27, %dma_start3A_28] : memref<10000x64xf32, #tpu.memory_space<hbm>> -> memref<10000x64xf32, #tpu.memory_space<hbm>>
        tpu.enqueue_indirect_dma source(%dma_start3A_29 : memref<10000x64xf32, #tpu.memory_space<hbm>>) target(%arg8 : memref<128x64xf32, #tpu.memory_space<vmem>>) offsets(%dma_start3A_26 : memref<128xi32, #tpu.memory_space<vmem>>) semaphore(%run_scoped3A : memref<!tpu.dma_semaphore, #tpu.memory_space<semaphore_mem>>)
        %dma_wait3A = arith.constant 0 : i32
        %dma_wait3A_30 = tpu.memref_slice %arg6[%while3A_24, %dma_wait3A] : memref<89x128xi32, #tpu.memory_space<vmem>> -> memref<1x128xi32, #tpu.memory_space<vmem>>
        %dma_wait3A_31 = tpu.memref_squeeze %dma_wait3A_30 : memref<1x128xi32, #tpu.memory_space<vmem>> -> memref<128xi32, #tpu.memory_space<vmem>>
        %dma_wait3A_32 = arith.constant 0 : i32
        %dma_wait3A_33 = arith.constant 0 : i32
        %dma_wait3A_34 = tpu.memref_slice %arg2[%dma_wait3A_32, %dma_wait3A_33] : memref<10000x64xf32, #tpu.memory_space<hbm>> -> memref<10000x64xf32, #tpu.memory_space<hbm>>
        tpu.wait_indirect_dma semaphore(%run_scoped3A : memref<!tpu.dma_semaphore, #tpu.memory_space<semaphore_mem>>) src(%dma_wait3A_34 : memref<10000x64xf32, #tpu.memory_space<hbm>>) dst(%arg8 : memref<128x64xf32, #tpu.memory_space<vmem>>)
        tpu.yield
      }) : () -> ()
      "tpu.region"() ({
        %run_scoped3A = tpu.sem_alloc : memref<!tpu.dma_semaphore, #tpu.memory_space<semaphore_mem>>
        %dma_start3A = arith.constant 0 : i32
        %dma_start3A_25 = tpu.memref_slice %arg7[%while3A_24, %dma_start3A] : memref<89x128xi32, #tpu.memory_space<vmem>> -> memref<1x128xi32, #tpu.memory_space<vmem>>
        %dma_start3A_26 = tpu.memref_squeeze %dma_start3A_25 : memref<1x128xi32, #tpu.memory_space<vmem>> -> memref<128xi32, #tpu.memory_space<vmem>>
        %dma_start3A_27 = arith.constant 0 : i32
        %dma_start3A_28 = arith.constant 0 : i32
        %dma_start3A_29 = tpu.memref_slice %arg10[%dma_start3A_27, %dma_start3A_28] : memref<10112x64xf32, #tpu.memory_space<vmem_shared>> -> memref<10112x64xf32, #tpu.memory_space<vmem_shared>>
        tpu.enqueue_indirect_dma source(%arg8 : memref<128x64xf32, #tpu.memory_space<vmem>>) target(%dma_start3A_29 : memref<10112x64xf32, #tpu.memory_space<vmem_shared>>) offsets(%dma_start3A_26 : memref<128xi32, #tpu.memory_space<vmem>>) semaphore(%run_scoped3A : memref<!tpu.dma_semaphore, #tpu.memory_space<semaphore_mem>>) {add = true}
        %dma_wait3A = arith.constant 0 : i32
        %dma_wait3A_30 = tpu.memref_slice %arg7[%while3A_24, %dma_wait3A] : memref<89x128xi32, #tpu.memory_space<vmem>> -> memref<1x128xi32, #tpu.memory_space<vmem>>
        %dma_wait3A_31 = tpu.memref_squeeze %dma_wait3A_30 : memref<1x128xi32, #tpu.memory_space<vmem>> -> memref<128xi32, #tpu.memory_space<vmem>>
        %dma_wait3A_32 = arith.constant 0 : i32
        %dma_wait3A_33 = arith.constant 0 : i32
        %dma_wait3A_34 = tpu.memref_slice %arg10[%dma_wait3A_32, %dma_wait3A_33] : memref<10112x64xf32, #tpu.memory_space<vmem_shared>> -> memref<10112x64xf32, #tpu.memory_space<vmem_shared>>
        tpu.wait_indirect_dma semaphore(%run_scoped3A : memref<!tpu.dma_semaphore, #tpu.memory_space<semaphore_mem>>) src(%arg8 : memref<128x64xf32, #tpu.memory_space<vmem>>) dst(%dma_wait3A_34 : memref<10112x64xf32, #tpu.memory_space<vmem_shared>>)
        tpu.yield
      }) : () -> ()
    }
    %barrier3A_19 = arith.constant 0 : index
    tpu.barrier barrier_id(%barrier3A_19)
    %mul3A_20 = arith.constant 632 : i32
    %mul3A_21 = arith.muli %arg1, %mul3A_20 : i32
    "tpu.region"() ({
      %run_scoped3A = tpu.sem_alloc : memref<!tpu.dma_semaphore, #tpu.memory_space<semaphore_mem>>
      %dma_start3A = arith.constant 0 : i32
      %dma_start3A_24 = tpu.memref_slice %arg10[%mul3A_21, %dma_start3A] : memref<10112x64xf32, #tpu.memory_space<vmem_shared>> -> memref<632x64xf32, #tpu.memory_space<vmem_shared>>
      %dma_start3A_25 = arith.constant 0 : i32
      %dma_start3A_26 = tpu.memref_slice %arg10[%mul3A_21, %dma_start3A_25] : memref<10112x64xf32, #tpu.memory_space<vmem_shared>> -> memref<632x64xf32, #tpu.memory_space<vmem_shared>>
      tpu.enqueue_dma source(%dma_start3A_26 : memref<632x64xf32, #tpu.memory_space<vmem_shared>>) target(%arg9 : memref<632x64xf32, #tpu.memory_space<vmem>>) target_semaphore(%run_scoped3A : memref<!tpu.dma_semaphore, #tpu.memory_space<semaphore_mem>>)
      %dma_wait3A = arith.constant 0 : i32
      %dma_wait3A_27 = tpu.memref_slice %arg10[%mul3A_21, %dma_wait3A] : memref<10112x64xf32, #tpu.memory_space<vmem_shared>> -> memref<632x64xf32, #tpu.memory_space<vmem_shared>>
      %dma_wait3A_28 = arith.constant 0 : i32
      %dma_wait3A_29 = tpu.memref_slice %arg10[%mul3A_21, %dma_wait3A_28] : memref<10112x64xf32, #tpu.memory_space<vmem_shared>> -> memref<632x64xf32, #tpu.memory_space<vmem_shared>>
      tpu.wait_dma2 semaphore(%run_scoped3A : memref<!tpu.dma_semaphore, #tpu.memory_space<semaphore_mem>>) src(%dma_wait3A_29 : memref<632x64xf32, #tpu.memory_space<vmem_shared>>) dst(%arg9 : memref<632x64xf32, #tpu.memory_space<vmem>>)
      tpu.yield
    }) : () -> ()
    %mul3A_22 = arith.constant 632 : i32
    %mul3A_23 = arith.muli %arg1, %mul3A_22 : i32
    "tpu.region"() ({
      %run_scoped3A = tpu.sem_alloc : memref<!tpu.dma_semaphore, #tpu.memory_space<semaphore_mem>>
      %dma_start3A = arith.constant 0 : i32
      %dma_start3A_24 = tpu.memref_slice %arg5[%arg0, %mul3A_23, %dma_start3A] : memref<2x10112x64xf32, #tpu.memory_space<hbm>> -> memref<1x632x64xf32, #tpu.memory_space<hbm>>
      %dma_start3A_25 = tpu.memref_squeeze %dma_start3A_24 : memref<1x632x64xf32, #tpu.memory_space<hbm>> -> memref<632x64xf32, #tpu.memory_space<hbm>>
      %dma_start3A_26 = arith.constant 0 : i32
      %dma_start3A_27 = tpu.memref_slice %arg5[%arg0, %mul3A_23, %dma_start3A_26] : memref<2x10112x64xf32, #tpu.memory_space<hbm>> -> memref<1x632x64xf32, #tpu.memory_space<hbm>>
      %dma_start3A_28 = tpu.memref_squeeze %dma_start3A_27 : memref<1x632x64xf32, #tpu.memory_space<hbm>> -> memref<632x64xf32, #tpu.memory_space<hbm>>
      tpu.enqueue_dma source(%arg9 : memref<632x64xf32, #tpu.memory_space<vmem>>) target(%dma_start3A_28 : memref<632x64xf32, #tpu.memory_space<hbm>>) target_semaphore(%run_scoped3A : memref<!tpu.dma_semaphore, #tpu.memory_space<semaphore_mem>>)
      %dma_wait3A = arith.constant 0 : i32
      %dma_wait3A_29 = tpu.memref_slice %arg5[%arg0, %mul3A_23, %dma_wait3A] : memref<2x10112x64xf32, #tpu.memory_space<hbm>> -> memref<1x632x64xf32, #tpu.memory_space<hbm>>
      %dma_wait3A_30 = tpu.memref_squeeze %dma_wait3A_29 : memref<1x632x64xf32, #tpu.memory_space<hbm>> -> memref<632x64xf32, #tpu.memory_space<hbm>>
      %dma_wait3A_31 = arith.constant 0 : i32
      %dma_wait3A_32 = tpu.memref_slice %arg5[%arg0, %mul3A_23, %dma_wait3A_31] : memref<2x10112x64xf32, #tpu.memory_space<hbm>> -> memref<1x632x64xf32, #tpu.memory_space<hbm>>
      %dma_wait3A_33 = tpu.memref_squeeze %dma_wait3A_32 : memref<1x632x64xf32, #tpu.memory_space<hbm>> -> memref<632x64xf32, #tpu.memory_space<hbm>>
      tpu.wait_dma2 semaphore(%run_scoped3A : memref<!tpu.dma_semaphore, #tpu.memory_space<semaphore_mem>>) src(%arg9 : memref<632x64xf32, #tpu.memory_space<vmem>>) dst(%dma_wait3A_33 : memref<632x64xf32, #tpu.memory_space<hbm>>)
      tpu.yield
    }) : () -> ()
    return
  }
}

#map = affine_map<(d0, d1) -> (0, 0)>
#map1 = affine_map<(d0, d1) -> (0, 0, 0)>
module attributes {stable_mosaic.version = 14 : i64} {
  func.func @_spmm_body(%arg0: i32, %arg1: i32, %arg2: memref<10000x64xf32, #tpu.memory_space<hbm>>, %arg3: memref<32x89x128xi32, #tpu.memory_space<hbm>>, %arg4: memref<32x89x128xi32, #tpu.memory_space<hbm>>, %arg5: memref<2x10112x64xf32, #tpu.memory_space<hbm>>, %arg6: memref<89x128xi32, #tpu.memory_space<vmem>>, %arg7: memref<89x128xi32, #tpu.memory_space<vmem>>, %arg8: memref<128x64xf32, #tpu.memory_space<vmem>>, %arg9: memref<632x64xf32, #tpu.memory_space<vmem>>, %arg10: memref<10112x64xf32, #tpu.memory_space<vmem_shared>>) attributes {dimension_semantics = [#tpu.dimension_semantics<core_parallel>, #tpu.dimension_semantics<subcore_parallel>], iteration_bounds = array<i64: 2, 16>, scalar_prefetch = 0 : i64, scratch_operands = 5 : i64, tpu.core_type = #tpu.core_type<sc_vector_subcore>, window_params = [{transform_indices = #map}, {transform_indices = #map1}, {transform_indices = #map1}, {transform_indices = #map1}]} {
    %mul3A = arith.constant 2 : i32
    %mul3A_0 = arith.muli %arg1, %mul3A : i32
    %add3A = arith.addi %mul3A_0, %arg0 : i32
    %eq3A = arith.constant 0 : i32
    %eq3A_1 = arith.cmpi eq, %arg0, %eq3A : i32
    %jit3A = arith.constant 89 : i32
    %jit3A_2 = arith.constant 68 : i32
    %select_n3A = arith.select %eq3A_1, %jit3A, %jit3A_2 : i32
    "tpu.region"() ({
      %run_scoped3A = tpu.sem_alloc : memref<!tpu.dma_semaphore, #tpu.memory_space<semaphore_mem>>
      %dma_start3A = arith.constant 0 : i32
      %dma_start3A_24 = arith.constant 0 : i32
      %dma_start3A_25 = tpu.memref_slice %arg3[%add3A, %dma_start3A, %dma_start3A_24] : memref<32x89x128xi32, #tpu.memory_space<hbm>> -> memref<1x89x128xi32, #tpu.memory_space<hbm>>
      %dma_start3A_26 = tpu.memref_squeeze %dma_start3A_25 : memref<1x89x128xi32, #tpu.memory_space<hbm>> -> memref<89x128xi32, #tpu.memory_space<hbm>>
      %dma_start3A_27 = arith.constant 0 : i32
      %dma_start3A_28 = arith.constant 0 : i32
      %dma_start3A_29 = tpu.memref_slice %arg3[%add3A, %dma_start3A_27, %dma_start3A_28] : memref<32x89x128xi32, #tpu.memory_space<hbm>> -> memref<1x89x128xi32, #tpu.memory_space<hbm>>
      %dma_start3A_30 = tpu.memref_squeeze %dma_start3A_29 : memref<1x89x128xi32, #tpu.memory_space<hbm>> -> memref<89x128xi32, #tpu.memory_space<hbm>>
      tpu.enqueue_dma source(%dma_start3A_30 : memref<89x128xi32, #tpu.memory_space<hbm>>) target(%arg6 : memref<89x128xi32, #tpu.memory_space<vmem>>) target_semaphore(%run_scoped3A : memref<!tpu.dma_semaphore, #tpu.memory_space<semaphore_mem>>)
      %dma_wait3A = arith.constant 0 : i32
      %dma_wait3A_31 = arith.constant 0 : i32
      %dma_wait3A_32 = tpu.memref_slice %arg3[%add3A, %dma_wait3A, %dma_wait3A_31] : memref<32x89x128xi32, #tpu.memory_space<hbm>> -> memref<1x89x128xi32, #tpu.memory_space<hbm>>
      %dma_wait3A_33 = tpu.memref_squeeze %dma_wait3A_32 : memref<1x89x128xi32, #tpu.memory_space<hbm>> -> memref<89x128xi32, #tpu.memory_space<hbm>>
      %dma_wait3A_34 = arith.constant 0 : i32
      %dma_wait3A_35 = arith.constant 0 : i32
      %dma_wait3A_36 = tpu.memref_slice %arg3[%add3A, %dma_wait3A_34, %dma_wait3A_35] : memref<32x89x128xi32, #tpu.memory_space<hbm>> -> memref<1x89x128xi32, #tpu.memory_space<hbm>>
      %dma_wait3A_37 = tpu.memref_squeeze %dma_wait3A_36 : memref<1x89x128xi32, #tpu.memory_space<hbm>> -> memref<89x128xi32, #tpu.memory_space<hbm>>
      tpu.wait_dma2 semaphore(%run_scoped3A : memref<!tpu.dma_semaphore, #tpu.memory_space<semaphore_mem>>) src(%dma_wait3A_37 : memref<89x128xi32, #tpu.memory_space<hbm>>) dst(%arg6 : memref<89x128xi32, #tpu.memory_space<vmem>>)
      tpu.yield
    }) : () -> ()
    "tpu.region"() ({
      %run_scoped3A = tpu.sem_alloc : memref<!tpu.dma_semaphore, #tpu.memory_space<semaphore_mem>>
      %dma_start3A = arith.constant 0 : i32
      %dma_start3A_24 = arith.constant 0 : i32
      %dma_start3A_25 = tpu.memref_slice %arg4[%add3A, %dma_start3A, %dma_start3A_24] : memref<32x89x128xi32, #tpu.memory_space<hbm>> -> memref<1x89x128xi32, #tpu.memory_space<hbm>>
      %dma_start3A_26 = tpu.memref_squeeze %dma_start3A_25 : memref<1x89x128xi32, #tpu.memory_space<hbm>> -> memref<89x128xi32, #tpu.memory_space<hbm>>
      %dma_start3A_27 = arith.constant 0 : i32
      %dma_start3A_28 = arith.constant 0 : i32
      %dma_start3A_29 = tpu.memref_slice %arg4[%add3A, %dma_start3A_27, %dma_start3A_28] : memref<32x89x128xi32, #tpu.memory_space<hbm>> -> memref<1x89x128xi32, #tpu.memory_space<hbm>>
      %dma_start3A_30 = tpu.memref_squeeze %dma_start3A_29 : memref<1x89x128xi32, #tpu.memory_space<hbm>> -> memref<89x128xi32, #tpu.memory_space<hbm>>
      tpu.enqueue_dma source(%dma_start3A_30 : memref<89x128xi32, #tpu.memory_space<hbm>>) target(%arg7 : memref<89x128xi32, #tpu.memory_space<vmem>>) target_semaphore(%run_scoped3A : memref<!tpu.dma_semaphore, #tpu.memory_space<semaphore_mem>>)
      %dma_wait3A = arith.constant 0 : i32
      %dma_wait3A_31 = arith.constant 0 : i32
      %dma_wait3A_32 = tpu.memref_slice %arg4[%add3A, %dma_wait3A, %dma_wait3A_31] : memref<32x89x128xi32, #tpu.memory_space<hbm>> -> memref<1x89x128xi32, #tpu.memory_space<hbm>>
      %dma_wait3A_33 = tpu.memref_squeeze %dma_wait3A_32 : memref<1x89x128xi32, #tpu.memory_space<hbm>> -> memref<89x128xi32, #tpu.memory_space<hbm>>
      %dma_wait3A_34 = arith.constant 0 : i32
      %dma_wait3A_35 = arith.constant 0 : i32
      %dma_wait3A_36 = tpu.memref_slice %arg4[%add3A, %dma_wait3A_34, %dma_wait3A_35] : memref<32x89x128xi32, #tpu.memory_space<hbm>> -> memref<1x89x128xi32, #tpu.memory_space<hbm>>
      %dma_wait3A_37 = tpu.memref_squeeze %dma_wait3A_36 : memref<1x89x128xi32, #tpu.memory_space<hbm>> -> memref<89x128xi32, #tpu.memory_space<hbm>>
      tpu.wait_dma2 semaphore(%run_scoped3A : memref<!tpu.dma_semaphore, #tpu.memory_space<semaphore_mem>>) src(%dma_wait3A_37 : memref<89x128xi32, #tpu.memory_space<hbm>>) dst(%arg7 : memref<89x128xi32, #tpu.memory_space<vmem>>)
      tpu.yield
    }) : () -> ()
    %scan3A = arith.constant 0 : i32
    %scan3A_3 = arith.constant 0 : i32
    %scan3A_4 = arith.constant 632 : i32
    %scan3A_5 = arith.addi %scan3A_3, %scan3A_4 : i32
    %scan3A_6 = arith.constant 1 : i32
    scf.for %scan3A_24 = %scan3A_3 to %scan3A_5 step %scan3A_6  : i32 {
      %broadcast_in_dim3A = arith.constant 0.000000e+00 : f32
      %broadcast_in_dim3A_25 = vector.broadcast %broadcast_in_dim3A : f32 to vector<16xf32>
      %swap3A = arith.index_cast %scan3A_24 : i32 to index
      %swap3A_26 = arith.constant 0 : index
      %swap3A_27 = tpu.vector_load %arg9[%swap3A, %swap3A_26] {strides = array<i32>} : memref<632x64xf32, #tpu.memory_space<vmem>>, vector<1x16xf32>,
      %swap3A_28 = vector.shape_cast %swap3A_27 : vector<1x16xf32> to vector<16xf32>
      %swap3A_29 = vector.shape_cast %broadcast_in_dim3A_25 : vector<16xf32> to vector<1x16xf32>
      tpu.vector_store %arg9[%swap3A, %swap3A_26], %swap3A_29 {strides = array<i32>} : memref<632x64xf32, #tpu.memory_space<vmem>>, vector<1x16xf32>,
      %broadcast_in_dim3A_30 = arith.constant 0.000000e+00 : f32
      %broadcast_in_dim3A_31 = vector.broadcast %broadcast_in_dim3A_30 : f32 to vector<16xf32>
      %swap3A_32 = arith.index_cast %scan3A_24 : i32 to index
      %swap3A_33 = arith.constant 16 : index
      %swap3A_34 = tpu.vector_load %arg9[%swap3A_32, %swap3A_33] {strides = array<i32>} : memref<632x64xf32, #tpu.memory_space<vmem>>, vector<1x16xf32>,
      %swap3A_35 = vector.shape_cast %swap3A_34 : vector<1x16xf32> to vector<16xf32>
      %swap3A_36 = vector.shape_cast %broadcast_in_dim3A_31 : vector<16xf32> to vector<1x16xf32>
      tpu.vector_store %arg9[%swap3A_32, %swap3A_33], %swap3A_36 {strides = array<i32>} : memref<632x64xf32, #tpu.memory_space<vmem>>, vector<1x16xf32>,
      %broadcast_in_dim3A_37 = arith.constant 0.000000e+00 : f32
      %broadcast_in_dim3A_38 = vector.broadcast %broadcast_in_dim3A_37 : f32 to vector<16xf32>
      %swap3A_39 = arith.index_cast %scan3A_24 : i32 to index
      %swap3A_40 = arith.constant 32 : index
      %swap3A_41 = tpu.vector_load %arg9[%swap3A_39, %swap3A_40] {strides = array<i32>} : memref<632x64xf32, #tpu.memory_space<vmem>>, vector<1x16xf32>,
      %swap3A_42 = vector.shape_cast %swap3A_41 : vector<1x16xf32> to vector<16xf32>
      %swap3A_43 = vector.shape_cast %broadcast_in_dim3A_38 : vector<16xf32> to vector<1x16xf32>
      tpu.vector_store %arg9[%swap3A_39, %swap3A_40], %swap3A_43 {strides = array<i32>} : memref<632x64xf32, #tpu.memory_space<vmem>>, vector<1x16xf32>,
      %broadcast_in_dim3A_44 = arith.constant 0.000000e+00 : f32
      %broadcast_in_dim3A_45 = vector.broadcast %broadcast_in_dim3A_44 : f32 to vector<16xf32>
      %swap3A_46 = arith.index_cast %scan3A_24 : i32 to index
      %swap3A_47 = arith.constant 48 : index
      %swap3A_48 = tpu.vector_load %arg9[%swap3A_46, %swap3A_47] {strides = array<i32>} : memref<632x64xf32, #tpu.memory_space<vmem>>, vector<1x16xf32>,
      %swap3A_49 = vector.shape_cast %swap3A_48 : vector<1x16xf32> to vector<16xf32>
      %swap3A_50 = vector.shape_cast %broadcast_in_dim3A_45 : vector<16xf32> to vector<1x16xf32>
      tpu.vector_store %arg9[%swap3A_46, %swap3A_47], %swap3A_50 {strides = array<i32>} : memref<632x64xf32, #tpu.memory_space<vmem>>, vector<1x16xf32>,
    }
    %scan3A_7 = arith.constant 632 : i32
    %mul3A_8 = arith.constant 632 : i32
    %mul3A_9 = arith.muli %arg1, %mul3A_8 : i32
    "tpu.region"() ({
      %run_scoped3A = tpu.sem_alloc : memref<!tpu.dma_semaphore, #tpu.memory_space<semaphore_mem>>
      %dma_start3A = arith.constant 0 : i32
      %dma_start3A_24 = tpu.memref_slice %arg10[%mul3A_9, %dma_start3A] : memref<10112x64xf32, #tpu.memory_space<vmem_shared>> -> memref<632x64xf32, #tpu.memory_space<vmem_shared>>
      %dma_start3A_25 = arith.constant 0 : i32
      %dma_start3A_26 = tpu.memref_slice %arg10[%mul3A_9, %dma_start3A_25] : memref<10112x64xf32, #tpu.memory_space<vmem_shared>> -> memref<632x64xf32, #tpu.memory_space<vmem_shared>>
      tpu.enqueue_dma source(%arg9 : memref<632x64xf32, #tpu.memory_space<vmem>>) target(%dma_start3A_26 : memref<632x64xf32, #tpu.memory_space<vmem_shared>>) target_semaphore(%run_scoped3A : memref<!tpu.dma_semaphore, #tpu.memory_space<semaphore_mem>>)
      %dma_wait3A = arith.constant 0 : i32
      %dma_wait3A_27 = tpu.memref_slice %arg10[%mul3A_9, %dma_wait3A] : memref<10112x64xf32, #tpu.memory_space<vmem_shared>> -> memref<632x64xf32, #tpu.memory_space<vmem_shared>>
      %dma_wait3A_28 = arith.constant 0 : i32
      %dma_wait3A_29 = tpu.memref_slice %arg10[%mul3A_9, %dma_wait3A_28] : memref<10112x64xf32, #tpu.memory_space<vmem_shared>> -> memref<632x64xf32, #tpu.memory_space<vmem_shared>>
      tpu.wait_dma2 semaphore(%run_scoped3A : memref<!tpu.dma_semaphore, #tpu.memory_space<semaphore_mem>>) src(%arg9 : memref<632x64xf32, #tpu.memory_space<vmem>>) dst(%dma_wait3A_29 : memref<632x64xf32, #tpu.memory_space<vmem_shared>>)
      tpu.yield
    }) : () -> ()
    %barrier3A = arith.constant 0 : index
    tpu.barrier barrier_id(%barrier3A)
    %while3A = arith.constant 0 : i32
    %while3A_10 = arith.constant 0 : i32
    %while3A_11 = arith.subi %select_n3A, %while3A_10 : i32
    %while3A_12 = arith.addi %while3A_10, %while3A_11 : i32
    %while3A_13 = arith.constant 1 : i32
    %while3A_14 = arith.divsi %while3A_11, %while3A_13 : i32
    %while3A_15 = arith.muli %while3A_14, %while3A_13 : i32
    %while3A_16 = arith.addi %while3A_10, %while3A_15 : i32
    %while3A_17 = arith.constant 1 : i32
    scf.for %while3A_24 = %while3A_10 to %while3A_16 step %while3A_17  : i32 {
      "tpu.region"() ({
        %run_scoped3A = tpu.sem_alloc : memref<!tpu.dma_semaphore, #tpu.memory_space<semaphore_mem>>
        %dma_start3A = arith.constant 0 : i32
        %dma_start3A_25 = tpu.memref_slice %arg6[%while3A_24, %dma_start3A] : memref<89x128xi32, #tpu.memory_space<vmem>> -> memref<1x128xi32, #tpu.memory_space<vmem>>
        %dma_start3A_26 = tpu.memref_squeeze %dma_start3A_25 : memref<1x128xi32, #tpu.memory_space<vmem>> -> memref<128xi32, #tpu.memory_space<vmem>>
        %dma_start3A_27 = arith.constant 0 : i32
        %dma_start3A_28 = arith.constant 0 : i32
        %dma_start3A_29 = tpu.memref_slice %arg2[%dma_start3A_27, %dma_start3A_28] : memref<10000x64xf32, #tpu.memory_space<hbm>> -> memref<10000x64xf32, #tpu.memory_space<hbm>>
        tpu.enqueue_indirect_dma source(%dma_start3A_29 : memref<10000x64xf32, #tpu.memory_space<hbm>>) target(%arg8 : memref<128x64xf32, #tpu.memory_space<vmem>>) offsets(%dma_start3A_26 : memref<128xi32, #tpu.memory_space<vmem>>) semaphore(%run_scoped3A : memref<!tpu.dma_semaphore, #tpu.memory_space<semaphore_mem>>)
        %dma_wait3A = arith.constant 0 : i32
        %dma_wait3A_30 = tpu.memref_slice %arg6[%while3A_24, %dma_wait3A] : memref<89x128xi32, #tpu.memory_space<vmem>> -> memref<1x128xi32, #tpu.memory_space<vmem>>
        %dma_wait3A_31 = tpu.memref_squeeze %dma_wait3A_30 : memref<1x128xi32, #tpu.memory_space<vmem>> -> memref<128xi32, #tpu.memory_space<vmem>>
        %dma_wait3A_32 = arith.constant 0 : i32
        %dma_wait3A_33 = arith.constant 0 : i32
        %dma_wait3A_34 = tpu.memref_slice %arg2[%dma_wait3A_32, %dma_wait3A_33] : memref<10000x64xf32, #tpu.memory_space<hbm>> -> memref<10000x64xf32, #tpu.memory_space<hbm>>
        tpu.wait_indirect_dma semaphore(%run_scoped3A : memref<!tpu.dma_semaphore, #tpu.memory_space<semaphore_mem>>) src(%dma_wait3A_34 : memref<10000x64xf32, #tpu.memory_space<hbm>>) dst(%arg8 : memref<128x64xf32, #tpu.memory_space<vmem>>)
        tpu.yield
      }) : () -> ()
      "tpu.region"() ({
        %run_scoped3A = tpu.sem_alloc : memref<!tpu.dma_semaphore, #tpu.memory_space<semaphore_mem>>
        %dma_start3A = arith.constant 0 : i32
        %dma_start3A_25 = tpu.memref_slice %arg7[%while3A_24, %dma_start3A] : memref<89x128xi32, #tpu.memory_space<vmem>> -> memref<1x128xi32, #tpu.memory_space<vmem>>
        %dma_start3A_26 = tpu.memref_squeeze %dma_start3A_25 : memref<1x128xi32, #tpu.memory_space<vmem>> -> memref<128xi32, #tpu.memory_space<vmem>>
        %dma_start3A_27 = arith.constant 0 : i32
        %dma_start3A_28 = arith.constant 0 : i32
        %dma_start3A_29 = tpu.memref_slice %arg10[%dma_start3A_27, %dma_start3A_28] : memref<10112x64xf32, #tpu.memory_space<vmem_shared>> -> memref<10112x64xf32, #tpu.memory_space<vmem_shared>>
        tpu.enqueue_indirect_dma source(%arg8 : memref<128x64xf32, #tpu.memory_space<vmem>>) target(%dma_start3A_29 : memref<10112x64xf32, #tpu.memory_space<vmem_shared>>) offsets(%dma_start3A_26 : memref<128xi32, #tpu.memory_space<vmem>>) semaphore(%run_scoped3A : memref<!tpu.dma_semaphore, #tpu.memory_space<semaphore_mem>>) {add = true}
        %dma_wait3A = arith.constant 0 : i32
        %dma_wait3A_30 = tpu.memref_slice %arg7[%while3A_24, %dma_wait3A] : memref<89x128xi32, #tpu.memory_space<vmem>> -> memref<1x128xi32, #tpu.memory_space<vmem>>
        %dma_wait3A_31 = tpu.memref_squeeze %dma_wait3A_30 : memref<1x128xi32, #tpu.memory_space<vmem>> -> memref<128xi32, #tpu.memory_space<vmem>>
        %dma_wait3A_32 = arith.constant 0 : i32
        %dma_wait3A_33 = arith.constant 0 : i32
        %dma_wait3A_34 = tpu.memref_slice %arg10[%dma_wait3A_32, %dma_wait3A_33] : memref<10112x64xf32, #tpu.memory_space<vmem_shared>> -> memref<10112x64xf32, #tpu.memory_space<vmem_shared>>
        tpu.wait_indirect_dma semaphore(%run_scoped3A : memref<!tpu.dma_semaphore, #tpu.memory_space<semaphore_mem>>) src(%arg8 : memref<128x64xf32, #tpu.memory_space<vmem>>) dst(%dma_wait3A_34 : memref<10112x64xf32, #tpu.memory_space<vmem_shared>>)
        tpu.yield
      }) : () -> ()
    }
    %while3A_18 = arith.constant 1 : i32
    scf.for %while3A_24 = %while3A_16 to %while3A_12 step %while3A_18  : i32 {
      "tpu.region"() ({
        %run_scoped3A = tpu.sem_alloc : memref<!tpu.dma_semaphore, #tpu.memory_space<semaphore_mem>>
        %dma_start3A = arith.constant 0 : i32
        %dma_start3A_25 = tpu.memref_slice %arg6[%while3A_24, %dma_start3A] : memref<89x128xi32, #tpu.memory_space<vmem>> -> memref<1x128xi32, #tpu.memory_space<vmem>>
        %dma_start3A_26 = tpu.memref_squeeze %dma_start3A_25 : memref<1x128xi32, #tpu.memory_space<vmem>> -> memref<128xi32, #tpu.memory_space<vmem>>
        %dma_start3A_27 = arith.constant 0 : i32
        %dma_start3A_28 = arith.constant 0 : i32
        %dma_start3A_29 = tpu.memref_slice %arg2[%dma_start3A_27, %dma_start3A_28] : memref<10000x64xf32, #tpu.memory_space<hbm>> -> memref<10000x64xf32, #tpu.memory_space<hbm>>
        tpu.enqueue_indirect_dma source(%dma_start3A_29 : memref<10000x64xf32, #tpu.memory_space<hbm>>) target(%arg8 : memref<128x64xf32, #tpu.memory_space<vmem>>) offsets(%dma_start3A_26 : memref<128xi32, #tpu.memory_space<vmem>>) semaphore(%run_scoped3A : memref<!tpu.dma_semaphore, #tpu.memory_space<semaphore_mem>>)
        %dma_wait3A = arith.constant 0 : i32
        %dma_wait3A_30 = tpu.memref_slice %arg6[%while3A_24, %dma_wait3A] : memref<89x128xi32, #tpu.memory_space<vmem>> -> memref<1x128xi32, #tpu.memory_space<vmem>>
        %dma_wait3A_31 = tpu.memref_squeeze %dma_wait3A_30 : memref<1x128xi32, #tpu.memory_space<vmem>> -> memref<128xi32, #tpu.memory_space<vmem>>
        %dma_wait3A_32 = arith.constant 0 : i32
        %dma_wait3A_33 = arith.constant 0 : i32
        %dma_wait3A_34 = tpu.memref_slice %arg2[%dma_wait3A_32, %dma_wait3A_33] : memref<10000x64xf32, #tpu.memory_space<hbm>> -> memref<10000x64xf32, #tpu.memory_space<hbm>>
        tpu.wait_indirect_dma semaphore(%run_scoped3A : memref<!tpu.dma_semaphore, #tpu.memory_space<semaphore_mem>>) src(%dma_wait3A_34 : memref<10000x64xf32, #tpu.memory_space<hbm>>) dst(%arg8 : memref<128x64xf32, #tpu.memory_space<vmem>>)
        tpu.yield
      }) : () -> ()
      "tpu.region"() ({
        %run_scoped3A = tpu.sem_alloc : memref<!tpu.dma_semaphore, #tpu.memory_space<semaphore_mem>>
        %dma_start3A = arith.constant 0 : i32
        %dma_start3A_25 = tpu.memref_slice %arg7[%while3A_24, %dma_start3A] : memref<89x128xi32, #tpu.memory_space<vmem>> -> memref<1x128xi32, #tpu.memory_space<vmem>>
        %dma_start3A_26 = tpu.memref_squeeze %dma_start3A_25 : memref<1x128xi32, #tpu.memory_space<vmem>> -> memref<128xi32, #tpu.memory_space<vmem>>
        %dma_start3A_27 = arith.constant 0 : i32
        %dma_start3A_28 = arith.constant 0 : i32
        %dma_start3A_29 = tpu.memref_slice %arg10[%dma_start3A_27, %dma_start3A_28] : memref<10112x64xf32, #tpu.memory_space<vmem_shared>> -> memref<10112x64xf32, #tpu.memory_space<vmem_shared>>
        tpu.enqueue_indirect_dma source(%arg8 : memref<128x64xf32, #tpu.memory_space<vmem>>) target(%dma_start3A_29 : memref<10112x64xf32, #tpu.memory_space<vmem_shared>>) offsets(%dma_start3A_26 : memref<128xi32, #tpu.memory_space<vmem>>) semaphore(%run_scoped3A : memref<!tpu.dma_semaphore, #tpu.memory_space<semaphore_mem>>) {add = true}
        %dma_wait3A = arith.constant 0 : i32
        %dma_wait3A_30 = tpu.memref_slice %arg7[%while3A_24, %dma_wait3A] : memref<89x128xi32, #tpu.memory_space<vmem>> -> memref<1x128xi32, #tpu.memory_space<vmem>>
        %dma_wait3A_31 = tpu.memref_squeeze %dma_wait3A_30 : memref<1x128xi32, #tpu.memory_space<vmem>> -> memref<128xi32, #tpu.memory_space<vmem>>
        %dma_wait3A_32 = arith.constant 0 : i32
        %dma_wait3A_33 = arith.constant 0 : i32
        %dma_wait3A_34 = tpu.memref_slice %arg10[%dma_wait3A_32, %dma_wait3A_33] : memref<10112x64xf32, #tpu.memory_space<vmem_shared>> -> memref<10112x64xf32, #tpu.memory_space<vmem_shared>>
        tpu.wait_indirect_dma semaphore(%run_scoped3A : memref<!tpu.dma_semaphore, #tpu.memory_space<semaphore_mem>>) src(%arg8 : memref<128x64xf32, #tpu.memory_space<vmem>>) dst(%dma_wait3A_34 : memref<10112x64xf32, #tpu.memory_space<vmem_shared>>)
        tpu.yield
      }) : () -> ()
    }
    %barrier3A_19 = arith.constant 0 : index
    tpu.barrier barrier_id(%barrier3A_19)
    %mul3A_20 = arith.constant 632 : i32
    %mul3A_21 = arith.muli %arg1, %mul3A_20 : i32
    "tpu.region"() ({
      %run_scoped3A = tpu.sem_alloc : memref<!tpu.dma_semaphore, #tpu.memory_space<semaphore_mem>>
      %dma_start3A = arith.constant 0 : i32
      %dma_start3A_24 = tpu.memref_slice %arg10[%mul3A_21, %dma_start3A] : memref<10112x64xf32, #tpu.memory_space<vmem_shared>> -> memref<632x64xf32, #tpu.memory_space<vmem_shared>>
      %dma_start3A_25 = arith.constant 0 : i32
      %dma_start3A_26 = tpu.memref_slice %arg10[%mul3A_21, %dma_start3A_25] : memref<10112x64xf32, #tpu.memory_space<vmem_shared>> -> memref<632x64xf32, #tpu.memory_space<vmem_shared>>
      tpu.enqueue_dma source(%dma_start3A_26 : memref<632x64xf32, #tpu.memory_space<vmem_shared>>) target(%arg9 : memref<632x64xf32, #tpu.memory_space<vmem>>) target_semaphore(%run_scoped3A : memref<!tpu.dma_semaphore, #tpu.memory_space<semaphore_mem>>)
      %dma_wait3A = arith.constant 0 : i32
      %dma_wait3A_27 = tpu.memref_slice %arg10[%mul3A_21, %dma_wait3A] : memref<10112x64xf32, #tpu.memory_space<vmem_shared>> -> memref<632x64xf32, #tpu.memory_space<vmem_shared>>
      %dma_wait3A_28 = arith.constant 0 : i32
      %dma_wait3A_29 = tpu.memref_slice %arg10[%mul3A_21, %dma_wait3A_28] : memref<10112x64xf32, #tpu.memory_space<vmem_shared>> -> memref<632x64xf32, #tpu.memory_space<vmem_shared>>
      tpu.wait_dma2 semaphore(%run_scoped3A : memref<!tpu.dma_semaphore, #tpu.memory_space<semaphore_mem>>) src(%dma_wait3A_29 : memref<632x64xf32, #tpu.memory_space<vmem_shared>>) dst(%arg9 : memref<632x64xf32, #tpu.memory_space<vmem>>)
      tpu.yield
    }) : () -> ()
    %mul3A_22 = arith.constant 632 : i32
    %mul3A_23 = arith.muli %arg1, %mul3A_22 : i32
    "tpu.region"() ({
      %run_scoped3A = tpu.sem_alloc : memref<!tpu.dma_semaphore, #tpu.memory_space<semaphore_mem>>
      %dma_start3A = arith.constant 0 : i32
      %dma_start3A_24 = tpu.memref_slice %arg5[%arg0, %mul3A_23, %dma_start3A] : memref<2x10112x64xf32, #tpu.memory_space<hbm>> -> memref<1x632x64xf32, #tpu.memory_space<hbm>>
      %dma_start3A_25 = tpu.memref_squeeze %dma_start3A_24 : memref<1x632x64xf32, #tpu.memory_space<hbm>> -> memref<632x64xf32, #tpu.memory_space<hbm>>
      %dma_start3A_26 = arith.constant 0 : i32
      %dma_start3A_27 = tpu.memref_slice %arg5[%arg0, %mul3A_23, %dma_start3A_26] : memref<2x10112x64xf32, #tpu.memory_space<hbm>> -> memref<1x632x64xf32, #tpu.memory_space<hbm>>
      %dma_start3A_28 = tpu.memref_squeeze %dma_start3A_27 : memref<1x632x64xf32, #tpu.memory_space<hbm>> -> memref<632x64xf32, #tpu.memory_space<hbm>>
      tpu.enqueue_dma source(%arg9 : memref<632x64xf32, #tpu.memory_space<vmem>>) target(%dma_start3A_28 : memref<632x64xf32, #tpu.memory_space<hbm>>) target_semaphore(%run_scoped3A : memref<!tpu.dma_semaphore, #tpu.memory_space<semaphore_mem>>)
      %dma_wait3A = arith.constant 0 : i32
      %dma_wait3A_29 = tpu.memref_slice %arg5[%arg0, %mul3A_23, %dma_wait3A] : memref<2x10112x64xf32, #tpu.memory_space<hbm>> -> memref<1x632x64xf32, #tpu.memory_space<hbm>>
      %dma_wait3A_30 = tpu.memref_squeeze %dma_wait3A_29 : memref<1x632x64xf32, #tpu.memory_space<hbm>> -> memref<632x64xf32, #tpu.memory_space<hbm>>
      %dma_wait3A_31 = arith.constant 0 : i32
      %dma_wait3A_32 = tpu.memref_slice %arg5[%arg0, %mul3A_23, %dma_wait3A_31] : memref<2x10112x64xf32, #tpu.memory_space<hbm>> -> memref<1x632x64xf32, #tpu.memory_space<hbm>>
      %dma_wait3A_33 = tpu.memref_squeeze %dma_wait3A_32 : memref<1x632x64xf32, #tpu.memory_space<hbm>> -> memref<632x64xf32, #tpu.memory_space<hbm>>
      tpu.wait_dma2 semaphore(%run_scoped3A : memref<!tpu.dma_semaphore, #tpu.memory_space<semaphore_mem>>) src(%arg9 : memref<632x64xf32, #tpu.memory_space<vmem>>) dst(%dma_wait3A_33 : memref<632x64xf32, #tpu.memory_space<hbm>>)
      tpu.yield
    }) : () -> ()
    return
  }
}

#map = affine_map<(d0, d1) -> (0, 0)>
#map1 = affine_map<(d0, d1) -> (0, 0, 0)>
module attributes {stable_mosaic.version = 14 : i64} {
  func.func @_spmm_body(%arg0: i32, %arg1: i32, %arg2: memref<10000x64xf32, #tpu.memory_space<hbm>>, %arg3: memref<32x89x128xi32, #tpu.memory_space<hbm>>, %arg4: memref<32x89x128xi32, #tpu.memory_space<hbm>>, %arg5: memref<2x10112x64xf32, #tpu.memory_space<hbm>>, %arg6: memref<89x128xi32, #tpu.memory_space<vmem>>, %arg7: memref<89x128xi32, #tpu.memory_space<vmem>>, %arg8: memref<128x64xf32, #tpu.memory_space<vmem>>, %arg9: memref<632x64xf32, #tpu.memory_space<vmem>>, %arg10: memref<10112x64xf32, #tpu.memory_space<vmem_shared>>) attributes {dimension_semantics = [#tpu.dimension_semantics<core_parallel>, #tpu.dimension_semantics<subcore_parallel>], iteration_bounds = array<i64: 2, 16>, scalar_prefetch = 0 : i64, scratch_operands = 5 : i64, tpu.core_type = #tpu.core_type<sc_vector_subcore>, window_params = [{transform_indices = #map}, {transform_indices = #map1}, {transform_indices = #map1}, {transform_indices = #map1}]} {
    %mul3A = arith.constant 2 : i32
    %mul3A_0 = arith.muli %arg1, %mul3A : i32
    %add3A = arith.addi %mul3A_0, %arg0 : i32
    %eq3A = arith.constant 0 : i32
    %eq3A_1 = arith.cmpi eq, %arg0, %eq3A : i32
    %jit3A = arith.constant 89 : i32
    %jit3A_2 = arith.constant 68 : i32
    %select_n3A = arith.select %eq3A_1, %jit3A, %jit3A_2 : i32
    "tpu.region"() ({
      %run_scoped3A = tpu.sem_alloc : memref<!tpu.dma_semaphore, #tpu.memory_space<semaphore_mem>>
      %dma_start3A = arith.constant 0 : i32
      %dma_start3A_24 = arith.constant 0 : i32
      %dma_start3A_25 = tpu.memref_slice %arg3[%add3A, %dma_start3A, %dma_start3A_24] : memref<32x89x128xi32, #tpu.memory_space<hbm>> -> memref<1x89x128xi32, #tpu.memory_space<hbm>>
      %dma_start3A_26 = tpu.memref_squeeze %dma_start3A_25 : memref<1x89x128xi32, #tpu.memory_space<hbm>> -> memref<89x128xi32, #tpu.memory_space<hbm>>
      %dma_start3A_27 = arith.constant 0 : i32
      %dma_start3A_28 = arith.constant 0 : i32
      %dma_start3A_29 = tpu.memref_slice %arg3[%add3A, %dma_start3A_27, %dma_start3A_28] : memref<32x89x128xi32, #tpu.memory_space<hbm>> -> memref<1x89x128xi32, #tpu.memory_space<hbm>>
      %dma_start3A_30 = tpu.memref_squeeze %dma_start3A_29 : memref<1x89x128xi32, #tpu.memory_space<hbm>> -> memref<89x128xi32, #tpu.memory_space<hbm>>
      tpu.enqueue_dma source(%dma_start3A_30 : memref<89x128xi32, #tpu.memory_space<hbm>>) target(%arg6 : memref<89x128xi32, #tpu.memory_space<vmem>>) target_semaphore(%run_scoped3A : memref<!tpu.dma_semaphore, #tpu.memory_space<semaphore_mem>>)
      %dma_wait3A = arith.constant 0 : i32
      %dma_wait3A_31 = arith.constant 0 : i32
      %dma_wait3A_32 = tpu.memref_slice %arg3[%add3A, %dma_wait3A, %dma_wait3A_31] : memref<32x89x128xi32, #tpu.memory_space<hbm>> -> memref<1x89x128xi32, #tpu.memory_space<hbm>>
      %dma_wait3A_33 = tpu.memref_squeeze %dma_wait3A_32 : memref<1x89x128xi32, #tpu.memory_space<hbm>> -> memref<89x128xi32, #tpu.memory_space<hbm>>
      %dma_wait3A_34 = arith.constant 0 : i32
      %dma_wait3A_35 = arith.constant 0 : i32
      %dma_wait3A_36 = tpu.memref_slice %arg3[%add3A, %dma_wait3A_34, %dma_wait3A_35] : memref<32x89x128xi32, #tpu.memory_space<hbm>> -> memref<1x89x128xi32, #tpu.memory_space<hbm>>
      %dma_wait3A_37 = tpu.memref_squeeze %dma_wait3A_36 : memref<1x89x128xi32, #tpu.memory_space<hbm>> -> memref<89x128xi32, #tpu.memory_space<hbm>>
      tpu.wait_dma2 semaphore(%run_scoped3A : memref<!tpu.dma_semaphore, #tpu.memory_space<semaphore_mem>>) src(%dma_wait3A_37 : memref<89x128xi32, #tpu.memory_space<hbm>>) dst(%arg6 : memref<89x128xi32, #tpu.memory_space<vmem>>)
      tpu.yield
    }) : () -> ()
    "tpu.region"() ({
      %run_scoped3A = tpu.sem_alloc : memref<!tpu.dma_semaphore, #tpu.memory_space<semaphore_mem>>
      %dma_start3A = arith.constant 0 : i32
      %dma_start3A_24 = arith.constant 0 : i32
      %dma_start3A_25 = tpu.memref_slice %arg4[%add3A, %dma_start3A, %dma_start3A_24] : memref<32x89x128xi32, #tpu.memory_space<hbm>> -> memref<1x89x128xi32, #tpu.memory_space<hbm>>
      %dma_start3A_26 = tpu.memref_squeeze %dma_start3A_25 : memref<1x89x128xi32, #tpu.memory_space<hbm>> -> memref<89x128xi32, #tpu.memory_space<hbm>>
      %dma_start3A_27 = arith.constant 0 : i32
      %dma_start3A_28 = arith.constant 0 : i32
      %dma_start3A_29 = tpu.memref_slice %arg4[%add3A, %dma_start3A_27, %dma_start3A_28] : memref<32x89x128xi32, #tpu.memory_space<hbm>> -> memref<1x89x128xi32, #tpu.memory_space<hbm>>
      %dma_start3A_30 = tpu.memref_squeeze %dma_start3A_29 : memref<1x89x128xi32, #tpu.memory_space<hbm>> -> memref<89x128xi32, #tpu.memory_space<hbm>>
      tpu.enqueue_dma source(%dma_start3A_30 : memref<89x128xi32, #tpu.memory_space<hbm>>) target(%arg7 : memref<89x128xi32, #tpu.memory_space<vmem>>) target_semaphore(%run_scoped3A : memref<!tpu.dma_semaphore, #tpu.memory_space<semaphore_mem>>)
      %dma_wait3A = arith.constant 0 : i32
      %dma_wait3A_31 = arith.constant 0 : i32
      %dma_wait3A_32 = tpu.memref_slice %arg4[%add3A, %dma_wait3A, %dma_wait3A_31] : memref<32x89x128xi32, #tpu.memory_space<hbm>> -> memref<1x89x128xi32, #tpu.memory_space<hbm>>
      %dma_wait3A_33 = tpu.memref_squeeze %dma_wait3A_32 : memref<1x89x128xi32, #tpu.memory_space<hbm>> -> memref<89x128xi32, #tpu.memory_space<hbm>>
      %dma_wait3A_34 = arith.constant 0 : i32
      %dma_wait3A_35 = arith.constant 0 : i32
      %dma_wait3A_36 = tpu.memref_slice %arg4[%add3A, %dma_wait3A_34, %dma_wait3A_35] : memref<32x89x128xi32, #tpu.memory_space<hbm>> -> memref<1x89x128xi32, #tpu.memory_space<hbm>>
      %dma_wait3A_37 = tpu.memref_squeeze %dma_wait3A_36 : memref<1x89x128xi32, #tpu.memory_space<hbm>> -> memref<89x128xi32, #tpu.memory_space<hbm>>
      tpu.wait_dma2 semaphore(%run_scoped3A : memref<!tpu.dma_semaphore, #tpu.memory_space<semaphore_mem>>) src(%dma_wait3A_37 : memref<89x128xi32, #tpu.memory_space<hbm>>) dst(%arg7 : memref<89x128xi32, #tpu.memory_space<vmem>>)
      tpu.yield
    }) : () -> ()
    %scan3A = arith.constant 0 : i32
    %scan3A_3 = arith.constant 0 : i32
    %scan3A_4 = arith.constant 632 : i32
    %scan3A_5 = arith.addi %scan3A_3, %scan3A_4 : i32
    %scan3A_6 = arith.constant 1 : i32
    scf.for %scan3A_24 = %scan3A_3 to %scan3A_5 step %scan3A_6  : i32 {
      %broadcast_in_dim3A = arith.constant 0.000000e+00 : f32
      %broadcast_in_dim3A_25 = vector.broadcast %broadcast_in_dim3A : f32 to vector<16xf32>
      %swap3A = arith.index_cast %scan3A_24 : i32 to index
      %swap3A_26 = arith.constant 0 : index
      %swap3A_27 = tpu.vector_load %arg9[%swap3A, %swap3A_26] {strides = array<i32>} : memref<632x64xf32, #tpu.memory_space<vmem>>, vector<1x16xf32>,
      %swap3A_28 = vector.shape_cast %swap3A_27 : vector<1x16xf32> to vector<16xf32>
      %swap3A_29 = vector.shape_cast %broadcast_in_dim3A_25 : vector<16xf32> to vector<1x16xf32>
      tpu.vector_store %arg9[%swap3A, %swap3A_26], %swap3A_29 {strides = array<i32>} : memref<632x64xf32, #tpu.memory_space<vmem>>, vector<1x16xf32>,
      %broadcast_in_dim3A_30 = arith.constant 0.000000e+00 : f32
      %broadcast_in_dim3A_31 = vector.broadcast %broadcast_in_dim3A_30 : f32 to vector<16xf32>
      %swap3A_32 = arith.index_cast %scan3A_24 : i32 to index
      %swap3A_33 = arith.constant 16 : index
      %swap3A_34 = tpu.vector_load %arg9[%swap3A_32, %swap3A_33] {strides = array<i32>} : memref<632x64xf32, #tpu.memory_space<vmem>>, vector<1x16xf32>,
      %swap3A_35 = vector.shape_cast %swap3A_34 : vector<1x16xf32> to vector<16xf32>
      %swap3A_36 = vector.shape_cast %broadcast_in_dim3A_31 : vector<16xf32> to vector<1x16xf32>
      tpu.vector_store %arg9[%swap3A_32, %swap3A_33], %swap3A_36 {strides = array<i32>} : memref<632x64xf32, #tpu.memory_space<vmem>>, vector<1x16xf32>,
      %broadcast_in_dim3A_37 = arith.constant 0.000000e+00 : f32
      %broadcast_in_dim3A_38 = vector.broadcast %broadcast_in_dim3A_37 : f32 to vector<16xf32>
      %swap3A_39 = arith.index_cast %scan3A_24 : i32 to index
      %swap3A_40 = arith.constant 32 : index
      %swap3A_41 = tpu.vector_load %arg9[%swap3A_39, %swap3A_40] {strides = array<i32>} : memref<632x64xf32, #tpu.memory_space<vmem>>, vector<1x16xf32>,
      %swap3A_42 = vector.shape_cast %swap3A_41 : vector<1x16xf32> to vector<16xf32>
      %swap3A_43 = vector.shape_cast %broadcast_in_dim3A_38 : vector<16xf32> to vector<1x16xf32>
      tpu.vector_store %arg9[%swap3A_39, %swap3A_40], %swap3A_43 {strides = array<i32>} : memref<632x64xf32, #tpu.memory_space<vmem>>, vector<1x16xf32>,
      %broadcast_in_dim3A_44 = arith.constant 0.000000e+00 : f32
      %broadcast_in_dim3A_45 = vector.broadcast %broadcast_in_dim3A_44 : f32 to vector<16xf32>
      %swap3A_46 = arith.index_cast %scan3A_24 : i32 to index
      %swap3A_47 = arith.constant 48 : index
      %swap3A_48 = tpu.vector_load %arg9[%swap3A_46, %swap3A_47] {strides = array<i32>} : memref<632x64xf32, #tpu.memory_space<vmem>>, vector<1x16xf32>,
      %swap3A_49 = vector.shape_cast %swap3A_48 : vector<1x16xf32> to vector<16xf32>
      %swap3A_50 = vector.shape_cast %broadcast_in_dim3A_45 : vector<16xf32> to vector<1x16xf32>
      tpu.vector_store %arg9[%swap3A_46, %swap3A_47], %swap3A_50 {strides = array<i32>} : memref<632x64xf32, #tpu.memory_space<vmem>>, vector<1x16xf32>,
    }
    %scan3A_7 = arith.constant 632 : i32
    %mul3A_8 = arith.constant 632 : i32
    %mul3A_9 = arith.muli %arg1, %mul3A_8 : i32
    "tpu.region"() ({
      %run_scoped3A = tpu.sem_alloc : memref<!tpu.dma_semaphore, #tpu.memory_space<semaphore_mem>>
      %dma_start3A = arith.constant 0 : i32
      %dma_start3A_24 = tpu.memref_slice %arg10[%mul3A_9, %dma_start3A] : memref<10112x64xf32, #tpu.memory_space<vmem_shared>> -> memref<632x64xf32, #tpu.memory_space<vmem_shared>>
      %dma_start3A_25 = arith.constant 0 : i32
      %dma_start3A_26 = tpu.memref_slice %arg10[%mul3A_9, %dma_start3A_25] : memref<10112x64xf32, #tpu.memory_space<vmem_shared>> -> memref<632x64xf32, #tpu.memory_space<vmem_shared>>
      tpu.enqueue_dma source(%arg9 : memref<632x64xf32, #tpu.memory_space<vmem>>) target(%dma_start3A_26 : memref<632x64xf32, #tpu.memory_space<vmem_shared>>) target_semaphore(%run_scoped3A : memref<!tpu.dma_semaphore, #tpu.memory_space<semaphore_mem>>)
      %dma_wait3A = arith.constant 0 : i32
      %dma_wait3A_27 = tpu.memref_slice %arg10[%mul3A_9, %dma_wait3A] : memref<10112x64xf32, #tpu.memory_space<vmem_shared>> -> memref<632x64xf32, #tpu.memory_space<vmem_shared>>
      %dma_wait3A_28 = arith.constant 0 : i32
      %dma_wait3A_29 = tpu.memref_slice %arg10[%mul3A_9, %dma_wait3A_28] : memref<10112x64xf32, #tpu.memory_space<vmem_shared>> -> memref<632x64xf32, #tpu.memory_space<vmem_shared>>
      tpu.wait_dma2 semaphore(%run_scoped3A : memref<!tpu.dma_semaphore, #tpu.memory_space<semaphore_mem>>) src(%arg9 : memref<632x64xf32, #tpu.memory_space<vmem>>) dst(%dma_wait3A_29 : memref<632x64xf32, #tpu.memory_space<vmem_shared>>)
      tpu.yield
    }) : () -> ()
    %barrier3A = arith.constant 0 : index
    tpu.barrier barrier_id(%barrier3A)
    %while3A = arith.constant 0 : i32
    %while3A_10 = arith.constant 0 : i32
    %while3A_11 = arith.subi %select_n3A, %while3A_10 : i32
    %while3A_12 = arith.addi %while3A_10, %while3A_11 : i32
    %while3A_13 = arith.constant 1 : i32
    %while3A_14 = arith.divsi %while3A_11, %while3A_13 : i32
    %while3A_15 = arith.muli %while3A_14, %while3A_13 : i32
    %while3A_16 = arith.addi %while3A_10, %while3A_15 : i32
    %while3A_17 = arith.constant 1 : i32
    scf.for %while3A_24 = %while3A_10 to %while3A_16 step %while3A_17  : i32 {
      "tpu.region"() ({
        %run_scoped3A = tpu.sem_alloc : memref<!tpu.dma_semaphore, #tpu.memory_space<semaphore_mem>>
        %dma_start3A = arith.constant 0 : i32
        %dma_start3A_25 = tpu.memref_slice %arg6[%while3A_24, %dma_start3A] : memref<89x128xi32, #tpu.memory_space<vmem>> -> memref<1x128xi32, #tpu.memory_space<vmem>>
        %dma_start3A_26 = tpu.memref_squeeze %dma_start3A_25 : memref<1x128xi32, #tpu.memory_space<vmem>> -> memref<128xi32, #tpu.memory_space<vmem>>
        %dma_start3A_27 = arith.constant 0 : i32
        %dma_start3A_28 = arith.constant 0 : i32
        %dma_start3A_29 = tpu.memref_slice %arg2[%dma_start3A_27, %dma_start3A_28] : memref<10000x64xf32, #tpu.memory_space<hbm>> -> memref<10000x64xf32, #tpu.memory_space<hbm>>
        tpu.enqueue_indirect_dma source(%dma_start3A_29 : memref<10000x64xf32, #tpu.memory_space<hbm>>) target(%arg8 : memref<128x64xf32, #tpu.memory_space<vmem>>) offsets(%dma_start3A_26 : memref<128xi32, #tpu.memory_space<vmem>>) semaphore(%run_scoped3A : memref<!tpu.dma_semaphore, #tpu.memory_space<semaphore_mem>>)
        %dma_wait3A = arith.constant 0 : i32
        %dma_wait3A_30 = tpu.memref_slice %arg6[%while3A_24, %dma_wait3A] : memref<89x128xi32, #tpu.memory_space<vmem>> -> memref<1x128xi32, #tpu.memory_space<vmem>>
        %dma_wait3A_31 = tpu.memref_squeeze %dma_wait3A_30 : memref<1x128xi32, #tpu.memory_space<vmem>> -> memref<128xi32, #tpu.memory_space<vmem>>
        %dma_wait3A_32 = arith.constant 0 : i32
        %dma_wait3A_33 = arith.constant 0 : i32
        %dma_wait3A_34 = tpu.memref_slice %arg2[%dma_wait3A_32, %dma_wait3A_33] : memref<10000x64xf32, #tpu.memory_space<hbm>> -> memref<10000x64xf32, #tpu.memory_space<hbm>>
        tpu.wait_indirect_dma semaphore(%run_scoped3A : memref<!tpu.dma_semaphore, #tpu.memory_space<semaphore_mem>>) src(%dma_wait3A_34 : memref<10000x64xf32, #tpu.memory_space<hbm>>) dst(%arg8 : memref<128x64xf32, #tpu.memory_space<vmem>>)
        tpu.yield
      }) : () -> ()
      "tpu.region"() ({
        %run_scoped3A = tpu.sem_alloc : memref<!tpu.dma_semaphore, #tpu.memory_space<semaphore_mem>>
        %dma_start3A = arith.constant 0 : i32
        %dma_start3A_25 = tpu.memref_slice %arg7[%while3A_24, %dma_start3A] : memref<89x128xi32, #tpu.memory_space<vmem>> -> memref<1x128xi32, #tpu.memory_space<vmem>>
        %dma_start3A_26 = tpu.memref_squeeze %dma_start3A_25 : memref<1x128xi32, #tpu.memory_space<vmem>> -> memref<128xi32, #tpu.memory_space<vmem>>
        %dma_start3A_27 = arith.constant 0 : i32
        %dma_start3A_28 = arith.constant 0 : i32
        %dma_start3A_29 = tpu.memref_slice %arg10[%dma_start3A_27, %dma_start3A_28] : memref<10112x64xf32, #tpu.memory_space<vmem_shared>> -> memref<10112x64xf32, #tpu.memory_space<vmem_shared>>
        tpu.enqueue_indirect_dma source(%arg8 : memref<128x64xf32, #tpu.memory_space<vmem>>) target(%dma_start3A_29 : memref<10112x64xf32, #tpu.memory_space<vmem_shared>>) offsets(%dma_start3A_26 : memref<128xi32, #tpu.memory_space<vmem>>) semaphore(%run_scoped3A : memref<!tpu.dma_semaphore, #tpu.memory_space<semaphore_mem>>) {add = true}
        %dma_wait3A = arith.constant 0 : i32
        %dma_wait3A_30 = tpu.memref_slice %arg7[%while3A_24, %dma_wait3A] : memref<89x128xi32, #tpu.memory_space<vmem>> -> memref<1x128xi32, #tpu.memory_space<vmem>>
        %dma_wait3A_31 = tpu.memref_squeeze %dma_wait3A_30 : memref<1x128xi32, #tpu.memory_space<vmem>> -> memref<128xi32, #tpu.memory_space<vmem>>
        %dma_wait3A_32 = arith.constant 0 : i32
        %dma_wait3A_33 = arith.constant 0 : i32
        %dma_wait3A_34 = tpu.memref_slice %arg10[%dma_wait3A_32, %dma_wait3A_33] : memref<10112x64xf32, #tpu.memory_space<vmem_shared>> -> memref<10112x64xf32, #tpu.memory_space<vmem_shared>>
        tpu.wait_indirect_dma semaphore(%run_scoped3A : memref<!tpu.dma_semaphore, #tpu.memory_space<semaphore_mem>>) src(%arg8 : memref<128x64xf32, #tpu.memory_space<vmem>>) dst(%dma_wait3A_34 : memref<10112x64xf32, #tpu.memory_space<vmem_shared>>)
        tpu.yield
      }) : () -> ()
    }
    %while3A_18 = arith.constant 1 : i32
    scf.for %while3A_24 = %while3A_16 to %while3A_12 step %while3A_18  : i32 {
      "tpu.region"() ({
        %run_scoped3A = tpu.sem_alloc : memref<!tpu.dma_semaphore, #tpu.memory_space<semaphore_mem>>
        %dma_start3A = arith.constant 0 : i32
        %dma_start3A_25 = tpu.memref_slice %arg6[%while3A_24, %dma_start3A] : memref<89x128xi32, #tpu.memory_space<vmem>> -> memref<1x128xi32, #tpu.memory_space<vmem>>
        %dma_start3A_26 = tpu.memref_squeeze %dma_start3A_25 : memref<1x128xi32, #tpu.memory_space<vmem>> -> memref<128xi32, #tpu.memory_space<vmem>>
        %dma_start3A_27 = arith.constant 0 : i32
        %dma_start3A_28 = arith.constant 0 : i32
        %dma_start3A_29 = tpu.memref_slice %arg2[%dma_start3A_27, %dma_start3A_28] : memref<10000x64xf32, #tpu.memory_space<hbm>> -> memref<10000x64xf32, #tpu.memory_space<hbm>>
        tpu.enqueue_indirect_dma source(%dma_start3A_29 : memref<10000x64xf32, #tpu.memory_space<hbm>>) target(%arg8 : memref<128x64xf32, #tpu.memory_space<vmem>>) offsets(%dma_start3A_26 : memref<128xi32, #tpu.memory_space<vmem>>) semaphore(%run_scoped3A : memref<!tpu.dma_semaphore, #tpu.memory_space<semaphore_mem>>)
        %dma_wait3A = arith.constant 0 : i32
        %dma_wait3A_30 = tpu.memref_slice %arg6[%while3A_24, %dma_wait3A] : memref<89x128xi32, #tpu.memory_space<vmem>> -> memref<1x128xi32, #tpu.memory_space<vmem>>
        %dma_wait3A_31 = tpu.memref_squeeze %dma_wait3A_30 : memref<1x128xi32, #tpu.memory_space<vmem>> -> memref<128xi32, #tpu.memory_space<vmem>>
        %dma_wait3A_32 = arith.constant 0 : i32
        %dma_wait3A_33 = arith.constant 0 : i32
        %dma_wait3A_34 = tpu.memref_slice %arg2[%dma_wait3A_32, %dma_wait3A_33] : memref<10000x64xf32, #tpu.memory_space<hbm>> -> memref<10000x64xf32, #tpu.memory_space<hbm>>
        tpu.wait_indirect_dma semaphore(%run_scoped3A : memref<!tpu.dma_semaphore, #tpu.memory_space<semaphore_mem>>) src(%dma_wait3A_34 : memref<10000x64xf32, #tpu.memory_space<hbm>>) dst(%arg8 : memref<128x64xf32, #tpu.memory_space<vmem>>)
        tpu.yield
      }) : () -> ()
      "tpu.region"() ({
        %run_scoped3A = tpu.sem_alloc : memref<!tpu.dma_semaphore, #tpu.memory_space<semaphore_mem>>
        %dma_start3A = arith.constant 0 : i32
        %dma_start3A_25 = tpu.memref_slice %arg7[%while3A_24, %dma_start3A] : memref<89x128xi32, #tpu.memory_space<vmem>> -> memref<1x128xi32, #tpu.memory_space<vmem>>
        %dma_start3A_26 = tpu.memref_squeeze %dma_start3A_25 : memref<1x128xi32, #tpu.memory_space<vmem>> -> memref<128xi32, #tpu.memory_space<vmem>>
        %dma_start3A_27 = arith.constant 0 : i32
        %dma_start3A_28 = arith.constant 0 : i32
        %dma_start3A_29 = tpu.memref_slice %arg10[%dma_start3A_27, %dma_start3A_28] : memref<10112x64xf32, #tpu.memory_space<vmem_shared>> -> memref<10112x64xf32, #tpu.memory_space<vmem_shared>>
        tpu.enqueue_indirect_dma source(%arg8 : memref<128x64xf32, #tpu.memory_space<vmem>>) target(%dma_start3A_29 : memref<10112x64xf32, #tpu.memory_space<vmem_shared>>) offsets(%dma_start3A_26 : memref<128xi32, #tpu.memory_space<vmem>>) semaphore(%run_scoped3A : memref<!tpu.dma_semaphore, #tpu.memory_space<semaphore_mem>>) {add = true}
        %dma_wait3A = arith.constant 0 : i32
        %dma_wait3A_30 = tpu.memref_slice %arg7[%while3A_24, %dma_wait3A] : memref<89x128xi32, #tpu.memory_space<vmem>> -> memref<1x128xi32, #tpu.memory_space<vmem>>
        %dma_wait3A_31 = tpu.memref_squeeze %dma_wait3A_30 : memref<1x128xi32, #tpu.memory_space<vmem>> -> memref<128xi32, #tpu.memory_space<vmem>>
        %dma_wait3A_32 = arith.constant 0 : i32
        %dma_wait3A_33 = arith.constant 0 : i32
        %dma_wait3A_34 = tpu.memref_slice %arg10[%dma_wait3A_32, %dma_wait3A_33] : memref<10112x64xf32, #tpu.memory_space<vmem_shared>> -> memref<10112x64xf32, #tpu.memory_space<vmem_shared>>
        tpu.wait_indirect_dma semaphore(%run_scoped3A : memref<!tpu.dma_semaphore, #tpu.memory_space<semaphore_mem>>) src(%arg8 : memref<128x64xf32, #tpu.memory_space<vmem>>) dst(%dma_wait3A_34 : memref<10112x64xf32, #tpu.memory_space<vmem_shared>>)
        tpu.yield
      }) : () -> ()
    }
    %barrier3A_19 = arith.constant 0 : index
    tpu.barrier barrier_id(%barrier3A_19)
    %mul3A_20 = arith.constant 632 : i32
    %mul3A_21 = arith.muli %arg1, %mul3A_20 : i32
    "tpu.region"() ({
      %run_scoped3A = tpu.sem_alloc : memref<!tpu.dma_semaphore, #tpu.memory_space<semaphore_mem>>
      %dma_start3A = arith.constant 0 : i32
      %dma_start3A_24 = tpu.memref_slice %arg10[%mul3A_21, %dma_start3A] : memref<10112x64xf32, #tpu.memory_space<vmem_shared>> -> memref<632x64xf32, #tpu.memory_space<vmem_shared>>
      %dma_start3A_25 = arith.constant 0 : i32
      %dma_start3A_26 = tpu.memref_slice %arg10[%mul3A_21, %dma_start3A_25] : memref<10112x64xf32, #tpu.memory_space<vmem_shared>> -> memref<632x64xf32, #tpu.memory_space<vmem_shared>>
      tpu.enqueue_dma source(%dma_start3A_26 : memref<632x64xf32, #tpu.memory_space<vmem_shared>>) target(%arg9 : memref<632x64xf32, #tpu.memory_space<vmem>>) target_semaphore(%run_scoped3A : memref<!tpu.dma_semaphore, #tpu.memory_space<semaphore_mem>>)
      %dma_wait3A = arith.constant 0 : i32
      %dma_wait3A_27 = tpu.memref_slice %arg10[%mul3A_21, %dma_wait3A] : memref<10112x64xf32, #tpu.memory_space<vmem_shared>> -> memref<632x64xf32, #tpu.memory_space<vmem_shared>>
      %dma_wait3A_28 = arith.constant 0 : i32
      %dma_wait3A_29 = tpu.memref_slice %arg10[%mul3A_21, %dma_wait3A_28] : memref<10112x64xf32, #tpu.memory_space<vmem_shared>> -> memref<632x64xf32, #tpu.memory_space<vmem_shared>>
      tpu.wait_dma2 semaphore(%run_scoped3A : memref<!tpu.dma_semaphore, #tpu.memory_space<semaphore_mem>>) src(%dma_wait3A_29 : memref<632x64xf32, #tpu.memory_space<vmem_shared>>) dst(%arg9 : memref<632x64xf32, #tpu.memory_space<vmem>>)
      tpu.yield
    }) : () -> ()
    %mul3A_22 = arith.constant 632 : i32
    %mul3A_23 = arith.muli %arg1, %mul3A_22 : i32
    "tpu.region"() ({
      %run_scoped3A = tpu.sem_alloc : memref<!tpu.dma_semaphore, #tpu.memory_space<semaphore_mem>>
      %dma_start3A = arith.constant 0 : i32
      %dma_start3A_24 = tpu.memref_slice %arg5[%arg0, %mul3A_23, %dma_start3A] : memref<2x10112x64xf32, #tpu.memory_space<hbm>> -> memref<1x632x64xf32, #tpu.memory_space<hbm>>
      %dma_start3A_25 = tpu.memref_squeeze %dma_start3A_24 : memref<1x632x64xf32, #tpu.memory_space<hbm>> -> memref<632x64xf32, #tpu.memory_space<hbm>>
      %dma_start3A_26 = arith.constant 0 : i32
      %dma_start3A_27 = tpu.memref_slice %arg5[%arg0, %mul3A_23, %dma_start3A_26] : memref<2x10112x64xf32, #tpu.memory_space<hbm>> -> memref<1x632x64xf32, #tpu.memory_space<hbm>>
      %dma_start3A_28 = tpu.memref_squeeze %dma_start3A_27 : memref<1x632x64xf32, #tpu.memory_space<hbm>> -> memref<632x64xf32, #tpu.memory_space<hbm>>
      tpu.enqueue_dma source(%arg9 : memref<632x64xf32, #tpu.memory_space<vmem>>) target(%dma_start3A_28 : memref<632x64xf32, #tpu.memory_space<hbm>>) target_semaphore(%run_scoped3A : memref<!tpu.dma_semaphore, #tpu.memory_space<semaphore_mem>>)
      %dma_wait3A = arith.constant 0 : i32
      %dma_wait3A_29 = tpu.memref_slice %arg5[%arg0, %mul3A_23, %dma_wait3A] : memref<2x10112x64xf32, #tpu.memory_space<hbm>> -> memref<1x632x64xf32, #tpu.memory_space<hbm>>
      %dma_wait3A_30 = tpu.memref_squeeze %dma_wait3A_29 : memref<1x632x64xf32, #tpu.memory_space<hbm>> -> memref<632x64xf32, #tpu.memory_space<hbm>>
      %dma_wait3A_31 = arith.constant 0 : i32
      %dma_wait3A_32 = tpu.memref_slice %arg5[%arg0, %mul3A_23, %dma_wait3A_31] : memref<2x10112x64xf32, #tpu.memory_space<hbm>> -> memref<1x632x64xf32, #tpu.memory_space<hbm>>
      %dma_wait3A_33 = tpu.memref_squeeze %dma_wait3A_32 : memref<1x632x64xf32, #tpu.memory_space<hbm>> -> memref<632x64xf32, #tpu.memory_space<hbm>>
      tpu.wait_dma2 semaphore(%run_scoped3A : memref<!tpu.dma_semaphore, #tpu.memory_space<semaphore_mem>>) src(%arg9 : memref<632x64xf32, #tpu.memory_space<vmem>>) dst(%dma_wait3A_33 : memref<632x64xf32, #tpu.memory_space<hbm>>)
      tpu.yield
    }) : () -> ()
    return
  }
}

module attributes {stable_mosaic.version = 14 : i64} {
  func.func @_tc0_body(%arg0: memref<10000x128xf32, #tpu.memory_space<vmem>>, %arg1: memref<128x64xf32, #tpu.memory_space<vmem>>, %arg2: memref<10000x64xf32, #tpu.memory_space<vmem>>) attributes {dimension_semantics = [], scalar_prefetch = 0 : i64, scratch_operands = 0 : i64, tpu.core_type = #tpu.core_type<tc>} {
    %get3A = arith.constant 0 : index
    %get3A_0 = arith.constant 0 : index
    %get3A_1 = vector.load %arg0[%get3A, %get3A_0] : memref<10000x128xf32, #tpu.memory_space<vmem>>, vector<10000x128xf32>
    %get3A_2 = arith.constant 0 : index
    %get3A_3 = arith.constant 0 : index
    %get3A_4 = vector.load %arg1[%get3A_2, %get3A_3] : memref<128x64xf32, #tpu.memory_space<vmem>>, vector<128x64xf32>
    %dot_general3A = arith.constant dense<0.000000e+00> : vector<10000x64xf32>
    %dot_general3A_5 = tpu.matmul %get3A_1, %get3A_4, %dot_general3A {dimension_numbers = #tpu.dot_dimension_numbers<[1], [0], [0], [1], [0, 0, 1, 1], [], []>, transpose_lhs_hint = false} : vector<10000x128xf32>, vector<128x64xf32>, vector<10000x64xf32> -> vector<10000x64xf32>
    %swap3A = arith.constant 0 : index
    %swap3A_6 = arith.constant 0 : index
    %swap3A_7 = vector.load %arg2[%swap3A, %swap3A_6] : memref<10000x64xf32, #tpu.memory_space<vmem>>, vector<10000x64xf32>
    tpu.vector_store %arg2[%swap3A, %swap3A_6], %dot_general3A_5 {strides = array<i32>} : memref<10000x64xf32, #tpu.memory_space<vmem>>, vector<10000x64xf32>,
    return
  }
}

module attributes {stable_mosaic.version = 14 : i64} {
  func.func @_tc1_body(%arg0: memref<2x10112x16xf32, #tpu.memory_space<vmem>>, %arg1: memref<10000x64xf32, #tpu.memory_space<vmem>>, %arg2: memref<10000x64xf32, #tpu.memory_space<vmem>>, %arg3: memref<10000x1xf32, #tpu.memory_space<vmem>>) attributes {dimension_semantics = [], scalar_prefetch = 0 : i64, scratch_operands = 0 : i64, tpu.core_type = #tpu.core_type<tc>} {
    %get3A = arith.constant 0 : index
    %get3A_0 = arith.constant 0 : index
    %get3A_1 = arith.constant 0 : index
    %get3A_2 = vector.load %arg0[%get3A, %get3A_0, %get3A_1] : memref<2x10112x16xf32, #tpu.memory_space<vmem>>, vector<1x10000x1xf32>
    %get3A_3 = vector.shape_cast %get3A_2 : vector<1x10000x1xf32> to vector<10000x1xf32>
    %get3A_4 = arith.constant 1 : index
    %get3A_5 = arith.constant 0 : index
    %get3A_6 = arith.constant 0 : index
    %get3A_7 = vector.load %arg0[%get3A_4, %get3A_5, %get3A_6] : memref<2x10112x16xf32, #tpu.memory_space<vmem>>, vector<1x10000x1xf32>
    %get3A_8 = vector.shape_cast %get3A_7 : vector<1x10000x1xf32> to vector<10000x1xf32>
    %add3A = arith.addf %get3A_3, %get3A_8 : vector<10000x1xf32>
    %add3A_9 = arith.constant 1.000000e+00 : f32
    %add3A_10 = vector.broadcast %add3A_9 : f32 to vector<10000x1xf32>
    %add3A_11 = arith.addf %add3A, %add3A_10 : vector<10000x1xf32>
    %rsqrt3A = math.rsqrt %add3A_11 : vector<10000x1xf32>
    %get3A_12 = arith.constant 0 : index
    %get3A_13 = arith.constant 0 : index
    %get3A_14 = vector.load %arg1[%get3A_12, %get3A_13] : memref<10000x64xf32, #tpu.memory_space<vmem>>, vector<10000x64xf32>
    %mul3A = vector.broadcast %rsqrt3A : vector<10000x1xf32> to vector<10000x64xf32>
    %mul3A_15 = arith.mulf %get3A_14, %mul3A : vector<10000x64xf32>
    %swap3A = arith.constant 0 : index
    %swap3A_16 = arith.constant 0 : index
    %swap3A_17 = vector.load %arg2[%swap3A, %swap3A_16] : memref<10000x64xf32, #tpu.memory_space<vmem>>, vector<10000x64xf32>
    tpu.vector_store %arg2[%swap3A, %swap3A_16], %mul3A_15 {strides = array<i32>} : memref<10000x64xf32, #tpu.memory_space<vmem>>, vector<10000x64xf32>,
    %swap3A_18 = arith.constant 0 : index
    %swap3A_19 = arith.constant 0 : index
    %swap3A_20 = vector.load %arg3[%swap3A_18, %swap3A_19] : memref<10000x1xf32, #tpu.memory_space<vmem>>, vector<10000x1xf32>
    tpu.vector_store %arg3[%swap3A_18, %swap3A_19], %rsqrt3A {strides = array<i32>} : memref<10000x1xf32, #tpu.memory_space<vmem>>, vector<10000x1xf32>,
    return
  }
}

module attributes {stable_mosaic.version = 14 : i64} {
  func.func @_tc2_body(%arg0: memref<2x10112x64xf32, #tpu.memory_space<vmem>>, %arg1: memref<10000x64xf32, #tpu.memory_space<vmem>>, %arg2: memref<10000x1xf32, #tpu.memory_space<vmem>>, %arg3: memref<1x64xf32, #tpu.memory_space<vmem>>, %arg4: memref<64x64xf32, #tpu.memory_space<vmem>>, %arg5: memref<10000x64xf32, #tpu.memory_space<vmem>>) attributes {dimension_semantics = [], scalar_prefetch = 0 : i64, scratch_operands = 0 : i64, tpu.core_type = #tpu.core_type<tc>} {
    %get3A = arith.constant 0 : index
    %get3A_0 = arith.constant 0 : index
    %get3A_1 = vector.load %arg2[%get3A, %get3A_0] : memref<10000x1xf32, #tpu.memory_space<vmem>>, vector<10000x1xf32>
    %get3A_2 = arith.constant 0 : index
    %get3A_3 = arith.constant 0 : index
    %get3A_4 = arith.constant 0 : index
    %get3A_5 = vector.load %arg0[%get3A_2, %get3A_3, %get3A_4] : memref<2x10112x64xf32, #tpu.memory_space<vmem>>, vector<1x10000x64xf32>
    %get3A_6 = vector.shape_cast %get3A_5 : vector<1x10000x64xf32> to vector<10000x64xf32>
    %get3A_7 = arith.constant 1 : index
    %get3A_8 = arith.constant 0 : index
    %get3A_9 = arith.constant 0 : index
    %get3A_10 = vector.load %arg0[%get3A_7, %get3A_8, %get3A_9] : memref<2x10112x64xf32, #tpu.memory_space<vmem>>, vector<1x10000x64xf32>
    %get3A_11 = vector.shape_cast %get3A_10 : vector<1x10000x64xf32> to vector<10000x64xf32>
    %add3A = arith.addf %get3A_6, %get3A_11 : vector<10000x64xf32>
    %get3A_12 = arith.constant 0 : index
    %get3A_13 = arith.constant 0 : index
    %get3A_14 = vector.load %arg1[%get3A_12, %get3A_13] : memref<10000x64xf32, #tpu.memory_space<vmem>>, vector<10000x64xf32>
    %add3A_15 = arith.addf %add3A, %get3A_14 : vector<10000x64xf32>
    %mul3A = vector.broadcast %get3A_1 : vector<10000x1xf32> to vector<10000x64xf32>
    %mul3A_16 = arith.mulf %mul3A, %add3A_15 : vector<10000x64xf32>
    %get3A_17 = arith.constant 0 : index
    %get3A_18 = arith.constant 0 : index
    %get3A_19 = vector.load %arg3[%get3A_17, %get3A_18] : memref<1x64xf32, #tpu.memory_space<vmem>>, vector<1x64xf32>
    %add3A_20 = vector.broadcast %get3A_19 : vector<1x64xf32> to vector<10000x64xf32>
    %add3A_21 = arith.addf %mul3A_16, %add3A_20 : vector<10000x64xf32>
    %max3A = arith.constant 0.000000e+00 : f32
    %max3A_22 = vector.broadcast %max3A : f32 to vector<10000x64xf32>
    %max3A_23 = arith.maximumf %add3A_21, %max3A_22 : vector<10000x64xf32>
    %get3A_24 = arith.constant 0 : index
    %get3A_25 = arith.constant 0 : index
    %get3A_26 = vector.load %arg4[%get3A_24, %get3A_25] : memref<64x64xf32, #tpu.memory_space<vmem>>, vector<64x64xf32>
    %dot_general3A = arith.constant dense<0.000000e+00> : vector<10000x64xf32>
    %dot_general3A_27 = tpu.matmul %max3A_23, %get3A_26, %dot_general3A {dimension_numbers = #tpu.dot_dimension_numbers<[1], [0], [0], [1], [0, 0, 1, 1], [], []>, transpose_lhs_hint = false} : vector<10000x64xf32>, vector<64x64xf32>, vector<10000x64xf32> -> vector<10000x64xf32>
    %mul3A_28 = vector.broadcast %get3A_1 : vector<10000x1xf32> to vector<10000x64xf32>
    %mul3A_29 = arith.mulf %dot_general3A_27, %mul3A_28 : vector<10000x64xf32>
    %swap3A = arith.constant 0 : index
    %swap3A_30 = arith.constant 0 : index
    %swap3A_31 = vector.load %arg5[%swap3A, %swap3A_30] : memref<10000x64xf32, #tpu.memory_space<vmem>>, vector<10000x64xf32>
    tpu.vector_store %arg5[%swap3A, %swap3A_30], %mul3A_29 {strides = array<i32>} : memref<10000x64xf32, #tpu.memory_space<vmem>>, vector<10000x64xf32>,
    return
  }
}

module attributes {stable_mosaic.version = 14 : i64} {
  func.func @_tc3_body(%arg0: memref<2x10112x64xf32, #tpu.memory_space<vmem>>, %arg1: memref<10000x64xf32, #tpu.memory_space<vmem>>, %arg2: memref<10000x1xf32, #tpu.memory_space<vmem>>, %arg3: memref<1x64xf32, #tpu.memory_space<vmem>>, %arg4: memref<10000x1xi32, #tpu.memory_space<vmem>>, %arg5: memref<64x16xf32, #tpu.memory_space<vmem>>, %arg6: memref<1x16xf32, #tpu.memory_space<vmem>>, %arg7: memref<16x1xf32, #tpu.memory_space<vmem>>, %arg8: memref<1x1xf32, #tpu.memory_space<vmem>>, %arg9: memref<64x1xf32, #tpu.memory_space<vmem>>, %arg10: memref<10000x64xf32, #tpu.memory_space<vmem>>, %arg11: memref<64x64xf32, #tpu.memory_space<vmem>>) attributes {dimension_semantics = [], scalar_prefetch = 0 : i64, scratch_operands = 2 : i64, tpu.core_type = #tpu.core_type<tc>} {
    %get3A = arith.constant 0 : index
    %get3A_0 = arith.constant 0 : index
    %get3A_1 = vector.load %arg2[%get3A, %get3A_0] : memref<10000x1xf32, #tpu.memory_space<vmem>>, vector<10000x1xf32>
    %get3A_2 = arith.constant 0 : index
    %get3A_3 = arith.constant 0 : index
    %get3A_4 = arith.constant 0 : index
    %get3A_5 = vector.load %arg0[%get3A_2, %get3A_3, %get3A_4] : memref<2x10112x64xf32, #tpu.memory_space<vmem>>, vector<1x10000x64xf32>
    %get3A_6 = vector.shape_cast %get3A_5 : vector<1x10000x64xf32> to vector<10000x64xf32>
    %get3A_7 = arith.constant 1 : index
    %get3A_8 = arith.constant 0 : index
    %get3A_9 = arith.constant 0 : index
    %get3A_10 = vector.load %arg0[%get3A_7, %get3A_8, %get3A_9] : memref<2x10112x64xf32, #tpu.memory_space<vmem>>, vector<1x10000x64xf32>
    %get3A_11 = vector.shape_cast %get3A_10 : vector<1x10000x64xf32> to vector<10000x64xf32>
    %add3A = arith.addf %get3A_6, %get3A_11 : vector<10000x64xf32>
    %get3A_12 = arith.constant 0 : index
    %get3A_13 = arith.constant 0 : index
    %get3A_14 = vector.load %arg1[%get3A_12, %get3A_13] : memref<10000x64xf32, #tpu.memory_space<vmem>>, vector<10000x64xf32>
    %add3A_15 = arith.addf %add3A, %get3A_14 : vector<10000x64xf32>
    %mul3A = vector.broadcast %get3A_1 : vector<10000x1xf32> to vector<10000x64xf32>
    %mul3A_16 = arith.mulf %mul3A, %add3A_15 : vector<10000x64xf32>
    %get3A_17 = arith.constant 0 : index
    %get3A_18 = arith.constant 0 : index
    %get3A_19 = vector.load %arg3[%get3A_17, %get3A_18] : memref<1x64xf32, #tpu.memory_space<vmem>>, vector<1x64xf32>
    %add3A_20 = vector.broadcast %get3A_19 : vector<1x64xf32> to vector<10000x64xf32>
    %add3A_21 = arith.addf %mul3A_16, %add3A_20 : vector<10000x64xf32>
    %max3A = arith.constant 0.000000e+00 : f32
    %max3A_22 = vector.broadcast %max3A : f32 to vector<10000x64xf32>
    %max3A_23 = arith.maximumf %add3A_21, %max3A_22 : vector<10000x64xf32>
    %swap3A = arith.constant 0 : index
    %swap3A_24 = arith.constant 0 : index
    %swap3A_25 = vector.load %arg10[%swap3A, %swap3A_24] : memref<10000x64xf32, #tpu.memory_space<vmem>>, vector<10000x64xf32>
    tpu.vector_store %arg10[%swap3A, %swap3A_24], %max3A_23 {strides = array<i32>} : memref<10000x64xf32, #tpu.memory_space<vmem>>, vector<10000x64xf32>,
    %scan3A = arith.constant 0 : i32
    %scan3A_26 = arith.constant 64 : i32
    %scan3A_27 = arith.addi %scan3A, %scan3A_26 : i32
    %scan3A_28 = arith.constant 1 : i32
    scf.for %scan3A_58 = %scan3A to %scan3A_27 step %scan3A_28  : i32 {
      %get3A_59 = arith.constant 0 : index
      %get3A_60 = arith.constant 0 : index
      %get3A_61 = vector.load %arg4[%get3A_59, %get3A_60] : memref<10000x1xi32, #tpu.memory_space<vmem>>, vector<10000x1xi32>
      %eq3A = vector.broadcast %scan3A_58 : i32 to vector<10000x1xi32>
      %eq3A_62 = arith.cmpi eq, %get3A_61, %eq3A : vector<10000x1xi32>
      %get3A_63 = arith.constant 0 : index
      %get3A_64 = arith.constant 0 : index
      %get3A_65 = vector.load %arg10[%get3A_63, %get3A_64] : memref<10000x64xf32, #tpu.memory_space<vmem>>, vector<10000x64xf32>
      %jit3A = arith.constant 0xFF800000 : f32
      %broadcast_in_dim3A = vector.shape_cast %eq3A_62 : vector<10000x1xi1> to vector<10000x1xi1>
      %broadcast_in_dim3A_66 = vector.broadcast %broadcast_in_dim3A : vector<10000x1xi1> to vector<10000x64xi1>
      %broadcast_in_dim3A_67 = vector.broadcast %jit3A : f32 to vector<10000x64xf32>
      %select_n3A = arith.select %broadcast_in_dim3A_66, %get3A_65, %broadcast_in_dim3A_67 : vector<10000x64xi1>, vector<10000x64xf32>
      %reduce_max3A = arith.constant dense<0xFF800000> : vector<64xf32>
      %reduce_max3A_68 = vector.multi_reduction <maximumf>, %select_n3A, %reduce_max3A [0] : vector<10000x64xf32> to vector<64xf32>
      %broadcast_in_dim3A_69 = vector.shape_cast %reduce_max3A_68 : vector<64xf32> to vector<1x64xf32>
      %swap3A_70 = arith.index_cast %scan3A_58 : i32 to index
      %swap3A_71 = arith.constant 0 : index
      %swap3A_72 = vector.load %arg11[%swap3A_70, %swap3A_71] : memref<64x64xf32, #tpu.memory_space<vmem>>, vector<1x64xf32>
      tpu.vector_store %arg11[%swap3A_70, %swap3A_71], %broadcast_in_dim3A_69 {strides = array<i32>} : memref<64x64xf32, #tpu.memory_space<vmem>>, vector<1x64xf32>,
    }
    %scan3A_29 = arith.constant 64 : i32
    %get3A_30 = arith.constant 0 : index
    %get3A_31 = arith.constant 0 : index
    %get3A_32 = vector.load %arg11[%get3A_30, %get3A_31] : memref<64x64xf32, #tpu.memory_space<vmem>>, vector<64x64xf32>
    %get3A_33 = arith.constant 0 : index
    %get3A_34 = arith.constant 0 : index
    %get3A_35 = vector.load %arg5[%get3A_33, %get3A_34] : memref<64x16xf32, #tpu.memory_space<vmem>>, vector<64x16xf32>
    %dot_general3A = arith.constant dense<0.000000e+00> : vector<64x16xf32>
    %dot_general3A_36 = tpu.matmul %get3A_32, %get3A_35, %dot_general3A {dimension_numbers = #tpu.dot_dimension_numbers<[1], [0], [0], [1], [0, 0, 1, 1], [], []>, transpose_lhs_hint = false} : vector<64x64xf32>, vector<64x16xf32>, vector<64x16xf32> -> vector<64x16xf32>
    %get3A_37 = arith.constant 0 : index
    %get3A_38 = arith.constant 0 : index
    %get3A_39 = vector.load %arg6[%get3A_37, %get3A_38] : memref<1x16xf32, #tpu.memory_space<vmem>>, vector<1x16xf32>
    %add3A_40 = vector.broadcast %get3A_39 : vector<1x16xf32> to vector<64x16xf32>
    %add3A_41 = arith.addf %dot_general3A_36, %add3A_40 : vector<64x16xf32>
    %max3A_42 = arith.constant 0.000000e+00 : f32
    %max3A_43 = vector.broadcast %max3A_42 : f32 to vector<64x16xf32>
    %max3A_44 = arith.maximumf %add3A_41, %max3A_43 : vector<64x16xf32>
    %get3A_45 = arith.constant 0 : index
    %get3A_46 = arith.constant 0 : index
    %get3A_47 = vector.load %arg7[%get3A_45, %get3A_46] : memref<16x1xf32, #tpu.memory_space<vmem>>, vector<16x1xf32>
    %dot_general3A_48 = arith.constant dense<0.000000e+00> : vector<64x1xf32>
    %dot_general3A_49 = tpu.matmul %max3A_44, %get3A_47, %dot_general3A_48 {dimension_numbers = #tpu.dot_dimension_numbers<[1], [0], [0], [1], [0, 0, 1, 1], [], []>, transpose_lhs_hint = false} : vector<64x16xf32>, vector<16x1xf32>, vector<64x1xf32> -> vector<64x1xf32>
    %get3A_50 = arith.constant 0 : index
    %get3A_51 = arith.constant 0 : index
    %get3A_52 = vector.load %arg8[%get3A_50, %get3A_51] : memref<1x1xf32, #tpu.memory_space<vmem>>, vector<1x1xf32>
    %add3A_53 = vector.broadcast %get3A_52 : vector<1x1xf32> to vector<64x1xf32>
    %add3A_54 = arith.addf %dot_general3A_49, %add3A_53 : vector<64x1xf32>
    %swap3A_55 = arith.constant 0 : index
    %swap3A_56 = arith.constant 0 : index
    %swap3A_57 = vector.load %arg9[%swap3A_55, %swap3A_56] : memref<64x1xf32, #tpu.memory_space<vmem>>, vector<64x1xf32>
    tpu.vector_store %arg9[%swap3A_55, %swap3A_56], %add3A_54 {strides = array<i32>} : memref<64x1xf32, #tpu.memory_space<vmem>>, vector<64x1xf32>,
    return
  }
}

</mosaic_0001>

<sc_bundles>
// kernel: kernel.11.cloned.1.call-start
scs
__scs_entry_jumppad:
0x0: {  	(pc) =	sbr.rel $0x88, $3  }
0x1: {  	(tag) =	ssettag $0x0;
	lr =	simm.s32 $0x1  }
0x2: {  	[smem:$0x3F94] =	sst lr;
	_ =	strace $0xD0000000  }
0x3: {  	_ = 	snop  }
0x4: {  	_ = 	snop  }
0x5: {  	_ = 	snop  }
0x6: {  	_ = 	snop  }
0x7: {  	_ = 	snop  }
__scs_overlays_trampoline_lowered:
0x8: {  	[smem:$0x3FA3] =	sst s0  }
0x9: {  	[smem:$0x3FA4] =	sst s1  }
0xa: {  	[smem:$0x3FA5] =	sst s2  }
0xb: {  	[smem:$0x3FA6] =	sst s3  }
0xc: {  	[smem:$0x3FA7] =	sst s4  }
0xd: {  	[smem:$0x3FA8] =	sst s5  }
0xe: {  	[smem:$0x3FA9] =	sst s6  }
0xf: {  	[smem:$0x3FAA] =	sst s7  }
0x10: {  	[smem:$0x3FAB] =	sst s8  }
0x11: {  	[smem:$0x3FAC] =	sst s9;
	s0 =	simm.s32 @!p0 $0x0  }
0x12: {  	s1 =	sld [smem:$0x3F92];
	s0 =	simm.s32 @p0 $0x1  }
0x13: {  	[smem:$0x3FAD] =	sst s0;
	s0 =	simm.s32 @!p1 $0x0  }
0x14: {  	s2 =	sld [smem:$0x3F91];
	s0 =	simm.s32 @p1 $0x1  }
0x15: {  	[smem:$0x3FAE] =	sst s0;
	s0 =	simm.s32 @!p2 $0x0  }
0x16: {  	s3 =	sld [smem:$0x3FDB];
	s0 =	simm.s32 @p2 $0x1  }
0x17: {  	s4 =	simm.s32 $0x1BF5;
	[smem:$0x3FB0] =	sst s0  }
0x18: {  	s0 =	sld [smem:$0x3F93];
	_ =	swait.ge [sflag:s4], $0x0  }
0x19: {  	s7 =	sld [smem:$0x3F94]  }
0x1a: {  	s8 =	sadd.s32 $0xFFFFE003, lr  }
0x1b: {  	s9 =	sadd.s32 $0xFFFFFEF7, lr;
	s5 =	simm.s32 $0xFFFFFFFF;
	p2 =	slt.u32 s8, $0xFFFFF086  }
0x1c: {  	p1 =	slt.u32 s9, $0xF7A;
	s5 =	simm.s32 @!p2 $0x0  }
0x1d: {  	s5 =	simm.s32 @p1 $0x1;
	p0 =	seq.s32 s7, s2  }
0x1e: {  	s7 =	smul.u32 @!p0 $0xF7A, s2;
	p2 =	seq.s32 @!p0 s5, $0x0  }
0x1f: {  	s9 =	smul.u32 $0xF7A, s1;
	s8 =	simm.s32 @!p0 $0x1BF5;
	p2 =	por !p2, p0  }
0x20: {  	[sflag:s8] =	ssyncset.s32 @!p0 $0xFFFFF086;
	s6 =	sadd.s32 @!p0 s3, s7;
	s7 =	simm.s32 @!p0 $0x108  }
0x21: {  	s3 =	sadd.s32 s3, s9;
	s6 =	sadd.s32 @!p0 $0x88, s6;
	s7 =	simm.s32 @p2 $0x1082  }
0x22: {  	[simem:s7], [sflag:s8] =	dma.local @!p0 [hbm:s6], $0xF7A  }
0x23: {  	s9 =	sor.u32 $0xD0000000, s2;
	s6 =	simm.s32 $0x108;
	_ =	swait.ge @!p0 [sflag:s8], $0x0  }
0x24: {  	s3 =	sadd.s32 $0x88, s3;
	s6 =	simm.s32 @!p1 $0x1082;
	[sflag:s4] =	ssyncset.s32 $0xFFFFF086  }
0x25: {  	[simem:s6], [sflag:s4] =	dma.local [hbm:s3], $0xF7A  }
0x26: {  	[smem:$0x3F94] =	sst s1;
	(tag) =	ssettag s2;
	_ =	strace s9  }
0x27: {  	s1 =	sld [smem:$0x3FA4]  }
0x28: {  	s2 =	sld [smem:$0x3FA5]  }
0x29: {  	s4 =	sld [smem:$0x3FA7]  }
0x2a: {  	p0 =	seq.s32 s5, $0x0;
	s5 =	sld [smem:$0x3FA8]  }
0x2b: {  	s6 =	sld [smem:$0x3FA9]  }
0x2c: {  	s7 =	sld [smem:$0x3FAA]  }
0x2d: {  	s3 =	simm.s32 $0x108;
	s8 =	sld [smem:$0x3FAB]  }
0x2e: {  	s3 =	simm.s32 @!p0 $0x1082;
	s9 =	sld [smem:$0x3FAC]  }
0x2f: {  	lr =	sadd.s32 s0, s3;
	s0 =	sld [smem:$0x3FA3]  }
0x30: {  	s3 =	sld [smem:$0x3FA6]  }
0x31: {  	[smem:$0x3FAF] =	sst s10  }
0x32: {  	s10 =	sld [smem:$0x3FAD];
	_ =	sdelay $0x3  }
0x33: {  	p0 =	seq.s32 s10, $0x1;
	s10 =	sld [smem:$0x3FAF];
	_ =	sdelay $0x3  }
0x34: {  	[smem:$0x3FAF] =	sst s10  }
0x35: {  	s10 =	sld [smem:$0x3FAE];
	_ =	sdelay $0x3  }
0x36: {  	p1 =	seq.s32 s10, $0x1;
	s10 =	sld [smem:$0x3FAF];
	_ =	sdelay $0x3  }
0x37: {  	[smem:$0x3FAF] =	sst s10  }
0x38: {  	s10 =	sld [smem:$0x3FB0]  }
0x39: {  	_ = 	snop;
	(pc) =	sbr.ind lr, $3  }
0x3a: {  	_ = 	snop  }
0x3b: {  	_ = 	snop  }
0x3c: {  	p2 =	seq.s32 s10, $0x1;
	s10 =	sld [smem:$0x3FAF]  }
0x3d: {  	_ =	shalt  }
0x3e: {  	_ =	shalt  }
0x3f: {  	_ =	shalt  }
0x40: {  	_ =	shalt  }
0x41: {  	_ =	shalt  }
0x42: {  	_ =	shalt  }
0x43: {  	_ =	shalt  }
0x44: {  	_ =	shalt  }
0x45: {  	_ =	shalt  }
0x46: {  	_ =	shalt  }
0x47: {  	_ =	shalt  }
0x48: {  	_ =	shalt  }
0x49: {  	_ =	shalt  }
0x4a: {  	_ =	shalt  }
0x4b: {  	_ =	shalt  }
0x4c: {  	_ =	shalt  }
0x4d: {  	_ =	shalt  }
0x4e: {  	_ =	shalt  }
0x4f: {  	_ =	shalt  }
0x50: {  	_ =	shalt  }
0x51: {  	_ =	shalt  }
0x52: {  	_ =	shalt  }
0x53: {  	_ =	shalt  }
0x54: {  	_ =	shalt  }
0x55: {  	_ =	shalt  }
0x56: {  	_ =	shalt  }
0x57: {  	_ =	shalt  }
0x58: {  	_ =	shalt  }
0x59: {  	_ =	shalt  }
0x5a: {  	_ =	shalt  }
0x5b: {  	_ =	shalt  }
0x5c: {  	_ =	shalt  }
0x5d: {  	_ =	shalt  }
0x5e: {  	_ =	shalt  }
0x5f: {  	_ =	shalt  }
0x60: {  	_ =	shalt  }
0x61: {  	_ =	shalt  }
0x62: {  	_ =	shalt  }
0x63: {  	_ =	shalt  }
0x64: {  	_ =	shalt  }
0x65: {  	_ =	shalt  }
0x66: {  	_ =	shalt  }
0x67: {  	_ =	shalt  }
0x68: {  	_ =	shalt  }
0x69: {  	_ =	shalt  }
0x6a: {  	_ =	shalt  }
0x6b: {  	_ =	shalt  }
0x6c: {  	_ =	shalt  }
0x6d: {  	_ =	shalt  }
0x6e: {  	_ =	shalt  }
0x6f: {  	_ =	shalt  }
0x70: {  	_ =	shalt  }
0x71: {  	_ =	shalt  }
0x72: {  	_ =	shalt  }
0x73: {  	_ =	shalt  }
0x74: {  	_ =	shalt  }
0x75: {  	_ =	shalt  }
0x76: {  	_ =	shalt  }
0x77: {  	_ =	shalt  }
0x78: {  	_ =	shalt  }
0x79: {  	_ =	shalt  }
0x7a: {  	_ =	shalt  }
0x7b: {  	_ =	shalt  }
0x7c: {  	_ =	shalt  }
0x7d: {  	_ =	shalt  }
0x7e: {  	_ =	shalt  }
0x7f: {  	_ =	shalt  }
0x80: {  	_ =	shalt  }
0x81: {  	_ =	shalt  }
0x82: {  	_ =	shalt  }
0x83: {  	_ =	shalt  }
0x84: {  	_ =	shalt  }
0x85: {  	_ =	shalt  }
0x86: {  	_ =	shalt  }
0x87: {  	_ =	shalt  }
.Lfunc_end0:
.L_simem_size_0:
called_computation_lowered:
.L_overlay_start_0:
0x88: {  	s2 =	sld [smem:$0x3FD9]  }
0x89: {  	s3 =	sld [smem:$0x3FFE];
	_ =	sdelay $0x1  }
0x8a: {  	s1 =	srdreg.scid  }
0x8b: {  	s0 =	sand.u32 $0x1, s1  }
0x8c: {  	s16 =	sshll.u32 s0, $0xA;
	s2 =	sadd.s32 s3, s2  }
0x8d: {  	s2 =	sadd.s32 s2, s16  }
0x8e: {  	[smem:$0x3FBB] =	sst s2  }
0x8f: {  	_ = 	snop  }
0x90: {  	(tm) =	ssettm $0x1  }
0x91: {  	s17 =	sld [smem:$0x3FFB];
	_ =	sdelay $0x3  }
0x92: {  	_ =	strace s17  }
0x93: {  	s2 =	sld [smem:$0x3FFC];
	_ =	sdelay $0x3  }
0x94: {  	_ =	strace s2  }
0x95: {  	s2 =	sld [smem:$0x3FFD];
	_ =	sdelay $0x3  }
0x96: {  	_ =	strace s2  }
0x97: {  	_ =	strace $0x8FFFFFFF  }
0x98: {  	s18 =	sld [smem:$0x3FDB];
	_ =	sdelay $0x1  }
0x99: {  	s19 =	simm.s32 $_scs_section_size  }
0x9a: {  	s4 =	simm.s32 $_size__tile_overlayer_lowered;
	s5 =	simm.s32 $_tile_overlayer_lowered  }
0x9b: {  	s22 =	simm.s32 $0x1BFF;
	s21 =	sshll.u32 s5, $0x1;
	s2 =	sadd.s32 s19, s18  }
0x9c: {  	s6 =	simm.s32 $0x0;
	s20 =	sshll.u32 s4, $0x1;
	s4 =	sadd.s32 s21, s2  }
0x9d: {  	[timem:s6], [sflag:s22] =	dma.local [hbm:s4], s20  }
0x9e: {  	_ =	swait.ge [sflag:s22], s20  }
0x9f: {  	s3 =	ssub.s32 $0x0, s20;
	[sflag:s22] =	ssyncset.done $0x0  }
0xa0: {  	[sflag:s22] =	ssyncadd.s32 s3;
	_ =	sdelay $0x1  }
0xa1: {  	s23 =	simm.s32 $0x1B8B  }
0xa2: {  	_ =	swait.ge [sflag:s23], $0x1  }
0xa3: {  	[sflag:s23] =	ssyncset.done $0x0  }
0xa4: {  	s25 =	simm.s32 $0x1B8E;
	s24 =	sld [smem:$0x3FFE];
	[sflag:s23] =	ssyncadd.s32 $0xFFFFFFFF  }
0xa5: {  	s26 =	simm.s32 $execute0_lowered;
	[smem:$0x3FD2] =	sst s25  }
0xa6: {  	s4 =	sshll.u32 s26, $0x1;
	_ =	strace $0x80000046;
	[dreg:$0x1] =	wrdreg $0xFFFFFFFF  }
0xa7: {  	s28 =	simm.s32 $_size_execute0_lowered;
	s2 =	sadd.s32 s2, s4;
	[dreg:$0x0] =	wrdreg $0x0  }
0xa8: {  	s4 =	sshll.u32 s28, $0x1;
	[dreg:$0x2] =	wrdreg s2  }
0xa9: {  	[dreg:$0x3] =	wrdreg s4  }
0xaa: {  	[dreg:$0x4] =	wrdreg $0xC0  }
0xab: {  	_ =	task [dreg:s6], $0x5FFFF  }
0xac: {  	[dreg:$0x1] =	wrdreg $0xFFFFFFFF  }
0xad: {  	[dreg:$0x0] =	wrdreg $0x60  }
0xae: {  	[dreg:$0x2] =	wrdreg s24  }
0xaf: {  	[dreg:$0x3] =	wrdreg $0x5C000  }
0xb0: {  	[dreg:$0x4] =	wrdreg $0x9  }
0xb1: {  	_ =	task.clear_ibuf [dreg:s6], $0x5FFFF;
	_ =	strace $0x90000046  }
0xb2: {  	s29 =	simm.s32 $0x9;
	_ =	strace $0x80000048  }
0xb3: {  	_ =	swait.ge [sflag:s29], $0x1  }
0xb4: {  	[sflag:s29] =	ssyncadd.s32 $0xFFFFFFFF  }
0xb5: {  	_ =	strace $0x90000048  }
0xb6: {  	_ =	sfence  }
0xb7: {  	s30 =	sld [smem:$0x0];
	_ =	sdelay $0x2  }
0xb8: {  	s31 =	sshll.u32 s1, $0xD;
	s1 =	sshrl.u32 s1, $0x2  }
0xb9: {  	s3 =	sand.u32 $0x4000, s31;
	s1 =	sadd.s32 s1, s30  }
0xba: {  	s0 =	sor.u32 s3, s0;
	s1 =	sshll.u32 s1, $0x11  }
0xbb: {  	s0 =	sor.u32 s1, s0  }
0xbc: {  	s0 =	sadd.s32 $0x8F2B, s0  }
0xbd: {  	[sflag:s0] =	ssyncadd.remote.s32 $0x1  }
0xbe: {  	_ =	sfence.sel $0xFFFF  }
0xbf: {  	[dreg:$0x0] =	wrdreg $0xFFFFFFFF;
	(pc) =	sbr.abs _section_cstart, $3  }
0xc0: {  	[dreg:$0x1] =	wrdreg $0xFFFFFFFF  }
0xc1: {  	_ =	task.clear_ibuf [dreg:s6], $0x2FFFF;
	_ =	strace $0x9FFFFFFF  }
0xc2: {  	(tm) =	ssettm $0x7FFFFFFF  }
0xc3: {  	_ =	shalt  }
tec
execute0_lowered:
.L_overlay_start_1:
0x0: {  	(tag) =	ssettag $0x1  }
0x1: {  	s1 =	srdreg.scid;
	s6 =	rddreg [dreg:$0x0]  }
0x2: {  	s0 =	stileid.u32;
	s2 =	rddreg [dreg:$0x1]  }
0x3: {  	s3 =	simm.s32 $0x0;
	s12 =	simm.s32 $0x3480;
	s13 =	simm.s32 $0x80  }
0x4: {  	s14 =	simm.s32 $0x0;
	s5 =	sand.u32 $0x1, s1;
	s31 =	sshll.u32 s0, $0x1  }
0x5: {  	s7 =	smul.u32 $0x2780, s0;
	[smem:$0x7FF] =	sst s3;
	s1 =	sor.u32 s5, s31  }
0x6: {  	s8 =	smul.u32 $0x27800, s5;
	s10 =	ssub.s32 $0x2, s5;
	p0 =	seq.s32 s5, $0x0  }
0x7: {  	s5 =	simm.s32 $0x59;
	s4 =	smul.u32 $0x590, s1;
	s1 =	rddreg [dreg:$0x2]  }
0x8: {  	_ =	strace $0x80000047;
	s11 =	sshrl.u32 s10, $0x1;
	s5 =	simm.s32 @!p0 $0x44  }
0x9: {  	s8 =	sadd.s32 s7, s8;
	s10 =	ssub.s32 s10, s11;
	s7 =	sadd.s32 s7, s2  }
0xa: {  	s11 =	simm.s32 $0x2C80;
	s9 =	sadd.s32 s4, s6;
	s8 =	sshrl.u32 s8, $0x3  }
0xb: {  	s4 =	sadd.s32 $0xD200, s6;
	s8 =	sadd.s32 s8, s6;
	s6 =	sadd.s32 $0x2000, s9  }
0xc: {  	v0 =	vimm.f32 $0.0e+00;
	s9 =	smax.u32 s10, $0x1;
	s10 =	simm.s32 $0x1;
	s8 =	sadd.s32 $0xD400, s8  }
.LBB2_1:
0xd: {  	[tilespmem:s3], [sflag:$0x1] =	stream.linear.gather [hbm4b:s6+s3], $0x2C80, $0x38;
	[tilespmem:$0x8380] =	vst v63  }
0xe: {  	_ =	swait.ge [sflag:s10], $0x2C80  }
0xf: {  	[sflag:s10] =	ssyncset.done $0x0  }
0x10: {  	[sflag:s10] =	ssyncadd.s32 $0xFFFFD380  }
0x11: {  	[tilespmem:s11], [sflag:$0x1] =	stream.linear.gather [hbm4b:s4+s3], $0x800, $0x38;
	[tilespmem:$0x8380] =	vst v63  }
0x12: {  	_ =	swait.ge [sflag:s10], $0x800  }
0x13: {  	[sflag:s10] =	ssyncset.done $0x0  }
0x14: {  	s15 =	simm.s32 $0x40;
	s16 =	simm.s32 $0x0;
	[sflag:s10] =	ssyncadd.s32 $0xFFFFF800  }
.LBB2_2:
0x15: {  	p0 =	sne.s32 s15, $0x9DC0;
	[tilespmem:s16+$0x3480] =	vst v0;
	s16 =	smov.u32 s15;
	s15 =	sadd.s32 $0x40, s15  }
.Ltmp0:
0x16: {  	(pc) =	sbr.rel @p0 .LBB2_2-.Ltmp0, $2  }
0x17: {  	_ =	sdelay $0x2  }
0x18: {  	s16 =	sshra.s32 s16, $0x2  }
0x19: {  	[tilespmem:s16+$0x3480] =	vst v0  }
0x1a: {  	[spmem:s7] =	stream.linear.scatter [tilespmem:s12], [sflag:$0x1], $0x2780, $0x38;
	[tilespmem:$0x8380] =	vst v63  }
0x1b: {  	_ =	swait.ge [sflag:s10], $0x2780  }
0x1c: {  	p0 =	sne.s32 s5, $0x1;
	[sflag:s10] =	ssyncset.done $0x0  }
.Ltmp1:
0x1d: {  	[sflag:s10] =	ssyncadd.s32 $0xFFFFD880;
	(pc) =	sbr.rel @!p0 .LBB2_5-.Ltmp1, $4  }
0x1e: {  	s15 =	simm.s32 $0x0;
	[bflag:$0x0] =	sbarrier.arrive $0xFFFF  }
0x1f: {  	[spmem:s2] =	stream.indirect.scatter.add.f32 [tilespmem:s11], [sflag:$0x1], $0x10, s15, s13, $0xb8;
	[tilespmem:$0x8380] =	vst v63  }
0x20: {  	_ =	swait.ge [sflag:s10], $0x800  }
0x21: {  	s16 =	sadd.s32 $0xFFFFFFFF, s5;
	[sflag:s10] =	ssyncset.done $0x0  }
.LBB2_4:
0x22: {  	p0 =	sne.s32 s16, $0x1;
	[sflag:s10] =	ssyncadd.s32 $0xFFFFF800;
	s15 =	sadd.s32 $0x80, s15  }
.Ltmp2:
0x23: {  	s16 =	sadd.s32 $0xFFFFFFFF, s16;
	(pc) =	sbr.rel @p0 .LBB2_4-.Ltmp2, $4  }
0x24: {  	_ = 	snop  }
0x25: {  	[spmem:s2] =	stream.indirect.scatter.add.f32 [tilespmem:s11], [sflag:$0x1], $0x10, s15, s13, $0xb8;
	[tilespmem:$0x8380] =	vst v63  }
0x26: {  	_ =	swait.ge [sflag:s10], $0x800  }
0x27: {  	[sflag:s10] =	ssyncset.done $0x0  }
.LBB2_5:
0x28: {  	[sflag:s10] =	ssyncadd.s32 $0xFFFFF800  }
0x29: {  	[bflag:$0x0] =	sbarrier.arrive $0xFFFF  }
0x2a: {  	[tilespmem:s12], [sflag:$0x1] =	stream.linear.gather [spmem:s7], $0x2780, $0x38;
	[tilespmem:$0x8380] =	vst v63  }
0x2b: {  	s14 =	sadd.s32 $0x1, s14;
	_ =	swait.ge [sflag:s10], $0x2780  }
0x2c: {  	p0 =	sne.s32 s14, s9;
	[sflag:s10] =	ssyncset.done $0x0  }
.Ltmp3:
0x2d: {  	[sflag:s10] =	ssyncadd.s32 $0xFFFFD880;
	(pc) =	sbr.rel @p0 .LBB2_1-.Ltmp3, $4  }
0x2e: {  	[hbm4b:s8+s3] =	stream.linear.scatter [tilespmem:s12], [sflag:$0x1], $0x2780, $0x38;
	[tilespmem:$0x8380] =	vst v63  }
0x2f: {  	_ =	swait.ge [sflag:s10], $0x2780  }
0x30: {  	[sflag:s10] =	ssyncset.done $0x0  }
0x31: {  	[sflag:s10] =	ssyncadd.s32 $0xFFFFD880  }
0x32: {  	_ =	sfence.sel $0x180000  }
0x33: {  	[bflag:$0x0] =	sbarrier.arrive $0xFFFF  }
0x34: {  	p0 =	sne.s32 s0, $0x0;
	_ =	strace $0x90000047  }
0x35: {  	s0 =	sadd.s32 @!p0 $0x100000, s1;
	[bflag:$0x2] =	sbarrier.arrive $0xFFFF  }
0x36: {  	[sflag:s0] =	ssyncadd.tile.s32 @!p0 $0x1;
	_ =	shalt  }
.Lfunc_end2:
_tile_overlayer_lowered:
.L_overlay_start_2:
0x37: {  	(tag) =	ssettag $0x2  }
0x38: {  	s0 =	rddreg [dreg:$0x0];
	s2 =	stileid.u32  }
0x39: {  	s1 =	rddreg [dreg:$0x1];
	p0 =	sne.s32 s2, $0x0  }
0x3a: {  	s3 =	rddreg [dreg:$0x2];
	[bflag:$0x3] =	sbarrier.arrive $0xFFFF;
	s2 =	simm.s32 @!p0 $0x1C01  }
0x3b: {  	[timem:s3], [sflag:s2] =	dma.local @!p0 [hbm:s0], s1  }
0x3c: {  	s0 =	simm.s32 @!p0 $0x1  }
0x3d: {  	_ =	swait.ge @!p0 [sflag:s0], s1  }
0x3e: {  	s1 =	ssub.s32 @!p0 $0x0, s1;
	[sflag:s0] =	ssyncset.done @!p0 $0x0  }
0x3f: {  	[sflag:s0] =	ssyncadd.s32 @!p0 s1  }
0x40: {  	[bflag:$0x3] =	sbarrier.arrive $0xFFFF  }
0x41: {  	_ =	shalt  }

// kernel: kernel.14.cloned.1.call-start
scs
__scs_entry_jumppad:
0x0: {  	(pc) =	sbr.rel $0x88, $3  }
0x1: {  	(tag) =	ssettag $0x0;
	lr =	simm.s32 $0x1  }
0x2: {  	[smem:$0x3F94] =	sst lr;
	_ =	strace $0xD0000000  }
0x3: {  	_ = 	snop  }
0x4: {  	_ = 	snop  }
0x5: {  	_ = 	snop  }
0x6: {  	_ = 	snop  }
0x7: {  	_ = 	snop  }
__scs_overlays_trampoline_lowered:
0x8: {  	[smem:$0x3FA3] =	sst s0  }
0x9: {  	[smem:$0x3FA4] =	sst s1  }
0xa: {  	[smem:$0x3FA5] =	sst s2  }
0xb: {  	[smem:$0x3FA6] =	sst s3  }
0xc: {  	[smem:$0x3FA7] =	sst s4  }
0xd: {  	[smem:$0x3FA8] =	sst s5  }
0xe: {  	[smem:$0x3FA9] =	sst s6  }
0xf: {  	[smem:$0x3FAA] =	sst s7  }
0x10: {  	[smem:$0x3FAB] =	sst s8  }
0x11: {  	[smem:$0x3FAC] =	sst s9;
	s0 =	simm.s32 @!p0 $0x0  }
0x12: {  	s1 =	sld [smem:$0x3F92];
	s0 =	simm.s32 @p0 $0x1  }
0x13: {  	[smem:$0x3FAD] =	sst s0;
	s0 =	simm.s32 @!p1 $0x0  }
0x14: {  	s2 =	sld [smem:$0x3F91];
	s0 =	simm.s32 @p1 $0x1  }
0x15: {  	[smem:$0x3FAE] =	sst s0;
	s0 =	simm.s32 @!p2 $0x0  }
0x16: {  	s3 =	sld [smem:$0x3FDB];
	s0 =	simm.s32 @p2 $0x1  }
0x17: {  	s4 =	simm.s32 $0x1BF5;
	[smem:$0x3FB0] =	sst s0  }
0x18: {  	s0 =	sld [smem:$0x3F93];
	_ =	swait.ge [sflag:s4], $0x0  }
0x19: {  	s7 =	sld [smem:$0x3F94]  }
0x1a: {  	s8 =	sadd.s32 $0xFFFFE003, lr  }
0x1b: {  	s9 =	sadd.s32 $0xFFFFFEF7, lr;
	s5 =	simm.s32 $0xFFFFFFFF;
	p2 =	slt.u32 s8, $0xFFFFF086  }
0x1c: {  	p1 =	slt.u32 s9, $0xF7A;
	s5 =	simm.s32 @!p2 $0x0  }
0x1d: {  	s5 =	simm.s32 @p1 $0x1;
	p0 =	seq.s32 s7, s2  }
0x1e: {  	s7 =	smul.u32 @!p0 $0xF7A, s2;
	p2 =	seq.s32 @!p0 s5, $0x0  }
0x1f: {  	s9 =	smul.u32 $0xF7A, s1;
	s8 =	simm.s32 @!p0 $0x1BF5;
	p2 =	por !p2, p0  }
0x20: {  	[sflag:s8] =	ssyncset.s32 @!p0 $0xFFFFF086;
	s6 =	sadd.s32 @!p0 s3, s7;
	s7 =	simm.s32 @!p0 $0x108  }
0x21: {  	s3 =	sadd.s32 s3, s9;
	s6 =	sadd.s32 @!p0 $0x88, s6;
	s7 =	simm.s32 @p2 $0x1082  }
0x22: {  	[simem:s7], [sflag:s8] =	dma.local @!p0 [hbm:s6], $0xF7A  }
0x23: {  	s9 =	sor.u32 $0xD0000000, s2;
	s6 =	simm.s32 $0x108;
	_ =	swait.ge @!p0 [sflag:s8], $0x0  }
0x24: {  	s3 =	sadd.s32 $0x88, s3;
	s6 =	simm.s32 @!p1 $0x1082;
	[sflag:s4] =	ssyncset.s32 $0xFFFFF086  }
0x25: {  	[simem:s6], [sflag:s4] =	dma.local [hbm:s3], $0xF7A  }
0x26: {  	[smem:$0x3F94] =	sst s1;
	(tag) =	ssettag s2;
	_ =	strace s9  }
0x27: {  	s1 =	sld [smem:$0x3FA4]  }
0x28: {  	s2 =	sld [smem:$0x3FA5]  }
0x29: {  	s4 =	sld [smem:$0x3FA7]  }
0x2a: {  	p0 =	seq.s32 s5, $0x0;
	s5 =	sld [smem:$0x3FA8]  }
0x2b: {  	s6 =	sld [smem:$0x3FA9]  }
0x2c: {  	s7 =	sld [smem:$0x3FAA]  }
0x2d: {  	s3 =	simm.s32 $0x108;
	s8 =	sld [smem:$0x3FAB]  }
0x2e: {  	s3 =	simm.s32 @!p0 $0x1082;
	s9 =	sld [smem:$0x3FAC]  }
0x2f: {  	lr =	sadd.s32 s0, s3;
	s0 =	sld [smem:$0x3FA3]  }
0x30: {  	s3 =	sld [smem:$0x3FA6]  }
0x31: {  	[smem:$0x3FAF] =	sst s10  }
0x32: {  	s10 =	sld [smem:$0x3FAD];
	_ =	sdelay $0x3  }
0x33: {  	p0 =	seq.s32 s10, $0x1;
	s10 =	sld [smem:$0x3FAF];
	_ =	sdelay $0x3  }
0x34: {  	[smem:$0x3FAF] =	sst s10  }
0x35: {  	s10 =	sld [smem:$0x3FAE];
	_ =	sdelay $0x3  }
0x36: {  	p1 =	seq.s32 s10, $0x1;
	s10 =	sld [smem:$0x3FAF];
	_ =	sdelay $0x3  }
0x37: {  	[smem:$0x3FAF] =	sst s10  }
0x38: {  	s10 =	sld [smem:$0x3FB0]  }
0x39: {  	_ = 	snop;
	(pc) =	sbr.ind lr, $3  }
0x3a: {  	_ = 	snop  }
0x3b: {  	_ = 	snop  }
0x3c: {  	p2 =	seq.s32 s10, $0x1;
	s10 =	sld [smem:$0x3FAF]  }
0x3d: {  	_ =	shalt  }
0x3e: {  	_ =	shalt  }
0x3f: {  	_ =	shalt  }
0x40: {  	_ =	shalt  }
0x41: {  	_ =	shalt  }
0x42: {  	_ =	shalt  }
0x43: {  	_ =	shalt  }
0x44: {  	_ =	shalt  }
0x45: {  	_ =	shalt  }
0x46: {  	_ =	shalt  }
0x47: {  	_ =	shalt  }
0x48: {  	_ =	shalt  }
0x49: {  	_ =	shalt  }
0x4a: {  	_ =	shalt  }
0x4b: {  	_ =	shalt  }
0x4c: {  	_ =	shalt  }
0x4d: {  	_ =	shalt  }
0x4e: {  	_ =	shalt  }
0x4f: {  	_ =	shalt  }
0x50: {  	_ =	shalt  }
0x51: {  	_ =	shalt  }
0x52: {  	_ =	shalt  }
0x53: {  	_ =	shalt  }
0x54: {  	_ =	shalt  }
0x55: {  	_ =	shalt  }
0x56: {  	_ =	shalt  }
0x57: {  	_ =	shalt  }
0x58: {  	_ =	shalt  }
0x59: {  	_ =	shalt  }
0x5a: {  	_ =	shalt  }
0x5b: {  	_ =	shalt  }
0x5c: {  	_ =	shalt  }
0x5d: {  	_ =	shalt  }
0x5e: {  	_ =	shalt  }
0x5f: {  	_ =	shalt  }
0x60: {  	_ =	shalt  }
0x61: {  	_ =	shalt  }
0x62: {  	_ =	shalt  }
0x63: {  	_ =	shalt  }
0x64: {  	_ =	shalt  }
0x65: {  	_ =	shalt  }
0x66: {  	_ =	shalt  }
0x67: {  	_ =	shalt  }
0x68: {  	_ =	shalt  }
0x69: {  	_ =	shalt  }
0x6a: {  	_ =	shalt  }
0x6b: {  	_ =	shalt  }
0x6c: {  	_ =	shalt  }
0x6d: {  	_ =	shalt  }
0x6e: {  	_ =	shalt  }
0x6f: {  	_ =	shalt  }
0x70: {  	_ =	shalt  }
0x71: {  	_ =	shalt  }
0x72: {  	_ =	shalt  }
0x73: {  	_ =	shalt  }
0x74: {  	_ =	shalt  }
0x75: {  	_ =	shalt  }
0x76: {  	_ =	shalt  }
0x77: {  	_ =	shalt  }
0x78: {  	_ =	shalt  }
0x79: {  	_ =	shalt  }
0x7a: {  	_ =	shalt  }
0x7b: {  	_ =	shalt  }
0x7c: {  	_ =	shalt  }
0x7d: {  	_ =	shalt  }
0x7e: {  	_ =	shalt  }
0x7f: {  	_ =	shalt  }
0x80: {  	_ =	shalt  }
0x81: {  	_ =	shalt  }
0x82: {  	_ =	shalt  }
0x83: {  	_ =	shalt  }
0x84: {  	_ =	shalt  }
0x85: {  	_ =	shalt  }
0x86: {  	_ =	shalt  }
0x87: {  	_ =	shalt  }
.Lfunc_end0:
.L_simem_size_0:
called_computation.1_lowered:
.L_overlay_start_0:
0x88: {  	s2 =	sld [smem:$0x3FD9]  }
0x89: {  	s3 =	sld [smem:$0x3FFE];
	_ =	sdelay $0x1  }
0x8a: {  	s1 =	srdreg.scid  }
0x8b: {  	s0 =	sand.u32 $0x1, s1  }
0x8c: {  	s16 =	sshll.u32 s0, $0xA;
	s2 =	sadd.s32 s3, s2  }
0x8d: {  	s2 =	sadd.s32 s2, s16  }
0x8e: {  	[smem:$0x3FBB] =	sst s2  }
0x8f: {  	_ = 	snop  }
0x90: {  	(tm) =	ssettm $0x1  }
0x91: {  	s17 =	sld [smem:$0x3FFB];
	_ =	sdelay $0x3  }
0x92: {  	_ =	strace s17  }
0x93: {  	s2 =	sld [smem:$0x3FFC];
	_ =	sdelay $0x3  }
0x94: {  	_ =	strace s2  }
0x95: {  	s2 =	sld [smem:$0x3FFD];
	_ =	sdelay $0x3  }
0x96: {  	_ =	strace s2  }
0x97: {  	_ =	strace $0x8FFFFFFF  }
0x98: {  	s18 =	sld [smem:$0x3FDB];
	_ =	sdelay $0x1  }
0x99: {  	s19 =	simm.s32 $_scs_section_size  }
0x9a: {  	s4 =	simm.s32 $_size__tile_overlayer_lowered;
	s5 =	simm.s32 $_tile_overlayer_lowered  }
0x9b: {  	s22 =	simm.s32 $0x1BFF;
	s21 =	sshll.u32 s5, $0x1;
	s2 =	sadd.s32 s19, s18  }
0x9c: {  	s6 =	simm.s32 $0x0;
	s20 =	sshll.u32 s4, $0x1;
	s4 =	sadd.s32 s21, s2  }
0x9d: {  	[timem:s6], [sflag:s22] =	dma.local [hbm:s4], s20  }
0x9e: {  	_ =	swait.ge [sflag:s22], s20  }
0x9f: {  	s3 =	ssub.s32 $0x0, s20;
	[sflag:s22] =	ssyncset.done $0x0  }
0xa0: {  	[sflag:s22] =	ssyncadd.s32 s3;
	_ =	sdelay $0x1  }
0xa1: {  	s23 =	simm.s32 $0x1B8B  }
0xa2: {  	_ =	swait.ge [sflag:s23], $0x1  }
0xa3: {  	[sflag:s23] =	ssyncset.done $0x0  }
0xa4: {  	s25 =	simm.s32 $0x1B8E;
	s24 =	sld [smem:$0x3FFE];
	[sflag:s23] =	ssyncadd.s32 $0xFFFFFFFF  }
0xa5: {  	s26 =	simm.s32 $execute0_lowered;
	[smem:$0x3FD2] =	sst s25  }
0xa6: {  	s4 =	sshll.u32 s26, $0x1;
	_ =	strace $0x80000049;
	[dreg:$0x1] =	wrdreg $0xFFFFFFFF  }
0xa7: {  	s28 =	simm.s32 $_size_execute0_lowered;
	s2 =	sadd.s32 s2, s4;
	[dreg:$0x0] =	wrdreg $0x0  }
0xa8: {  	s4 =	sshll.u32 s28, $0x1;
	[dreg:$0x2] =	wrdreg s2  }
0xa9: {  	[dreg:$0x3] =	wrdreg s4  }
0xaa: {  	[dreg:$0x4] =	wrdreg $0xC0  }
0xab: {  	_ =	task [dreg:s6], $0x5FFFF  }
0xac: {  	[dreg:$0x1] =	wrdreg $0xFFFFFFFF  }
0xad: {  	[dreg:$0x0] =	wrdreg $0x60  }
0xae: {  	[dreg:$0x2] =	wrdreg s24  }
0xaf: {  	[dreg:$0x3] =	wrdreg $0x117000  }
0xb0: {  	[dreg:$0x4] =	wrdreg $0x9  }
0xb1: {  	_ =	task.clear_ibuf [dreg:s6], $0x5FFFF;
	_ =	strace $0x90000049  }
0xb2: {  	s29 =	simm.s32 $0x9;
	_ =	strace $0x8000004B  }
0xb3: {  	_ =	swait.ge [sflag:s29], $0x1  }
0xb4: {  	[sflag:s29] =	ssyncadd.s32 $0xFFFFFFFF  }
0xb5: {  	_ =	strace $0x9000004B  }
0xb6: {  	_ =	sfence  }
0xb7: {  	s30 =	sld [smem:$0x0];
	_ =	sdelay $0x2  }
0xb8: {  	s31 =	sshll.u32 s1, $0xD;
	s1 =	sshrl.u32 s1, $0x2  }
0xb9: {  	s3 =	sand.u32 $0x4000, s31;
	s1 =	sadd.s32 s1, s30  }
0xba: {  	s0 =	sor.u32 s3, s0;
	s1 =	sshll.u32 s1, $0x11  }
0xbb: {  	s0 =	sor.u32 s1, s0  }
0xbc: {  	s0 =	sadd.s32 $0x8F2B, s0  }
0xbd: {  	[sflag:s0] =	ssyncadd.remote.s32 $0x1  }
0xbe: {  	_ =	sfence.sel $0xFFFF  }
0xbf: {  	[dreg:$0x0] =	wrdreg $0xFFFFFFFF;
	(pc) =	sbr.abs _section_cstart, $3  }
0xc0: {  	[dreg:$0x1] =	wrdreg $0xFFFFFFFF  }
0xc1: {  	_ =	task.clear_ibuf [dreg:s6], $0x2FFFF;
	_ =	strace $0x9FFFFFFF  }
0xc2: {  	(tm) =	ssettm $0x7FFFFFFF  }
0xc3: {  	_ =	shalt  }
tec
execute0_lowered:
.L_overlay_start_1:
0x0: {  	(tag) =	ssettag $0x1  }
0x1: {  	s5 =	rddreg [dreg:$0x0]  }
0x2: {  	s2 =	rddreg [dreg:$0x1];
	s3 =	srdreg.scid  }
0x3: {  	s1 =	stileid.u32;
	s0 =	rddreg [dreg:$0x2];
	s12 =	simm.s32 $0x2C80  }
0x4: {  	s13 =	simm.s32 $0x7900;
	s14 =	simm.s32 $0x80;
	s15 =	simm.s32 $0x5900  }
0x5: {  	s16 =	simm.s32 $0x0;
	s6 =	sand.u32 $0x1, s3;
	s8 =	smul.u32 $0x9E00, s1  }
0x6: {  	s3 =	simm.s32 $0x0;
	s4 =	sshll.u32 s1, $0x1;
	s7 =	smul.u32 $0x9E000, s6  }
0x7: {  	[smem:$0x7FF] =	sst s3;
	s4 =	sor.u32 s6, s4;
	s10 =	ssub.s32 $0x2, s6  }
0x8: {  	p0 =	seq.s32 s6, $0x0;
	_ =	strace $0x8000004A;
	s9 =	smul.u32 $0x590, s4  }
0x9: {  	s4 =	sadd.s32 $0x22400, s5;
	s31 =	sshrl.u32 s10, $0x1;
	s7 =	sadd.s32 s8, s7  }
0xa: {  	s10 =	ssub.s32 s10, s31;
	s8 =	sadd.s32 s8, s2;
	s7 =	sshrl.u32 s7, $0x3  }
0xb: {  	s9 =	sadd.s32 s9, s5;
	s10 =	smax.u32 s10, $0x1;
	s11 =	sadd.s32 s7, s5  }
0xc: {  	s5 =	simm.s32 $0x59;
	s6 =	sadd.s32 $0x17200, s9;
	s7 =	sadd.s32 $0x2000, s9  }
0xd: {  	v0 =	vimm.f32 $0.0e+00;
	s5 =	simm.s32 @!p0 $0x44;
	s9 =	sadd.s32 $0x35E00, s11;
	s11 =	simm.s32 $0x1  }
.LBB2_1:
0xe: {  	[tilespmem:s3], [sflag:$0x1] =	stream.linear.gather [hbm4b:s6+s3], $0x2C80, $0x38;
	[tilespmem:$0x1B500] =	vst v63  }
0xf: {  	_ =	swait.ge [sflag:s11], $0x2C80  }
0x10: {  	[sflag:s11] =	ssyncset.done $0x0  }
0x11: {  	[sflag:s11] =	ssyncadd.s32 $0xFFFFD380  }
0x12: {  	[tilespmem:s12], [sflag:$0x1] =	stream.linear.gather [hbm4b:s7+s3], $0x2C80, $0x38;
	[tilespmem:$0x1B500] =	vst v63  }
0x13: {  	_ =	swait.ge [sflag:s11], $0x2C80  }
0x14: {  	[sflag:s11] =	ssyncset.done $0x0  }
0x15: {  	s18 =	simm.s32 $0x100;
	s17 =	simm.s32 $0x0;
	[sflag:s11] =	ssyncadd.s32 $0xFFFFD380  }
.LBB2_2:
0x16: {  	p0 =	sne.s32 s18, $0x27700;
	[tilespmem:s17+$0x7930] =	vst v0;
	s19 =	smov.u32 s18;
	s18 =	sadd.s32 $0x100, s18  }
.Ltmp0:
0x17: {  	[tilespmem:s17+$0x7920] =	vst v0;
	(pc) =	sbr.rel @p0 .LBB2_2-.Ltmp0, $3  }
0x18: {  	[tilespmem:s17+$0x7900] =	vst v0  }
0x19: {  	[tilespmem:s17+$0x7910] =	vst v0;
	_ =	sdelay $0x1  }
0x1a: {  	s17 =	sshra.s32 s19, $0x2  }
0x1b: {  	[tilespmem:s17+$0x7930] =	vst v0  }
0x1c: {  	[tilespmem:s17+$0x7920] =	vst v0  }
0x1d: {  	[tilespmem:s17+$0x7900] =	vst v0  }
0x1e: {  	[tilespmem:s17+$0x7910] =	vst v0  }
0x1f: {  	[spmem:s8] =	stream.linear.scatter [tilespmem:s13], [sflag:$0x1], $0x9E00, $0x38;
	[tilespmem:$0x1B500] =	vst v63  }
0x20: {  	_ =	swait.ge [sflag:s11], $0x9E00  }
0x21: {  	[sflag:s11] =	ssyncset.done $0x0  }
0x22: {  	[sflag:s11] =	ssyncadd.s32 $0xFFFF6200  }
0x23: {  	s17 =	simm.s32 $0x0;
	[bflag:$0x0] =	sbarrier.arrive $0xFFFF  }
0x24: {  	[tilespmem:s15], [sflag:$0x1] =	stream.indirect.gather [hbm4b:s4+s14], $0x40, s17, s14, $0xb8;
	[tilespmem:$0x1B500] =	vst v63  }
0x25: {  	p0 =	sne.s32 s5, $0x1;
	_ =	swait.ge [sflag:s11], $0x2000  }
.Ltmp1:
0x26: {  	[sflag:s11] =	ssyncset.done $0x0;
	(pc) =	sbr.rel @!p0 .LBB2_5-.Ltmp1, $4  }
0x27: {  	s18 =	simm.s32 $0x2C80;
	[sflag:s11] =	ssyncadd.s32 $0xFFFFE000  }
0x28: {  	[spmem:s2] =	stream.indirect.scatter.add.f32 [tilespmem:s15], [sflag:$0x1], $0x40, s18, s14, $0xb8;
	[tilespmem:$0x1B500] =	vst v63  }
0x29: {  	_ =	swait.ge [sflag:s11], $0x2000  }
0x2a: {  	s19 =	sadd.s32 $0xFFFFFFFF, s5;
	[sflag:s11] =	ssyncset.done $0x0  }
.LBB2_4:
0x2b: {  	[sflag:s11] =	ssyncadd.s32 $0xFFFFE000;
	s17 =	sadd.s32 $0x80, s17;
	s18 =	sadd.s32 $0x80, s18  }
0x2c: {  	[tilespmem:s15], [sflag:$0x1] =	stream.indirect.gather [hbm4b:s4+s14], $0x40, s17, s14, $0xb8;
	[tilespmem:$0x1B500] =	vst v63  }
0x2d: {  	p0 =	sne.s32 s19, $0x1;
	s19 =	sadd.s32 $0xFFFFFFFF, s19;
	_ =	swait.ge [sflag:s11], $0x2000  }
.Ltmp2:
0x2e: {  	[sflag:s11] =	ssyncset.done $0x0;
	(pc) =	sbr.rel @p0 .LBB2_4-.Ltmp2, $4  }
0x2f: {  	[sflag:s11] =	ssyncadd.s32 $0xFFFFE000  }
0x30: {  	[spmem:s2] =	stream.indirect.scatter.add.f32 [tilespmem:s15], [sflag:$0x1], $0x40, s18, s14, $0xb8;
	[tilespmem:$0x1B500] =	vst v63  }
0x31: {  	_ =	swait.ge [sflag:s11], $0x2000  }
0x32: {  	[sflag:s11] =	ssyncset.done $0x0  }
.LBB2_5:
0x33: {  	[sflag:s11] =	ssyncadd.s32 $0xFFFFE000  }
0x34: {  	[bflag:$0x0] =	sbarrier.arrive $0xFFFF  }
0x35: {  	[tilespmem:s13], [sflag:$0x1] =	stream.linear.gather [spmem:s8], $0x9E00, $0x38;
	[tilespmem:$0x1B500] =	vst v63  }
0x36: {  	s16 =	sadd.s32 $0x1, s16;
	_ =	swait.ge [sflag:s11], $0x9E00  }
0x37: {  	p0 =	sne.s32 s16, s10;
	[sflag:s11] =	ssyncset.done $0x0  }
.Ltmp3:
0x38: {  	[sflag:s11] =	ssyncadd.s32 $0xFFFF6200;
	(pc) =	sbr.rel @p0 .LBB2_1-.Ltmp3, $4  }
0x39: {  	[hbm4b:s9+s3] =	stream.linear.scatter [tilespmem:s13], [sflag:$0x1], $0x9E00, $0x38;
	[tilespmem:$0x1B500] =	vst v63  }
0x3a: {  	_ =	swait.ge [sflag:s11], $0x9E00  }
0x3b: {  	[sflag:s11] =	ssyncset.done $0x0  }
0x3c: {  	[sflag:s11] =	ssyncadd.s32 $0xFFFF6200  }
0x3d: {  	_ =	sfence.sel $0x180000  }
0x3e: {  	[bflag:$0x0] =	sbarrier.arrive $0xFFFF  }
0x3f: {  	p0 =	sne.s32 s1, $0x0;
	_ =	strace $0x9000004A  }
0x40: {  	s0 =	sadd.s32 @!p0 $0x100000, s0;
	[bflag:$0x2] =	sbarrier.arrive $0xFFFF  }
0x41: {  	[sflag:s0] =	ssyncadd.tile.s32 @!p0 $0x1;
	_ =	shalt  }
.Lfunc_end2:
_tile_overlayer_lowered:
.L_overlay_start_2:
0x42: {  	(tag) =	ssettag $0x2  }
0x43: {  	s0 =	rddreg [dreg:$0x0];
	s2 =	stileid.u32  }
0x44: {  	s1 =	rddreg [dreg:$0x1];
	p0 =	sne.s32 s2, $0x0  }
0x45: {  	s3 =	rddreg [dreg:$0x2];
	[bflag:$0x3] =	sbarrier.arrive $0xFFFF;
	s2 =	simm.s32 @!p0 $0x1C01  }
0x46: {  	[timem:s3], [sflag:s2] =	dma.local @!p0 [hbm:s0], s1  }
0x47: {  	s0 =	simm.s32 @!p0 $0x1  }
0x48: {  	_ =	swait.ge @!p0 [sflag:s0], s1  }
0x49: {  	s1 =	ssub.s32 @!p0 $0x0, s1;
	[sflag:s0] =	ssyncset.done @!p0 $0x0  }
0x4a: {  	[sflag:s0] =	ssyncadd.s32 @!p0 s1  }
0x4b: {  	[bflag:$0x3] =	sbarrier.arrive $0xFFFF  }
0x4c: {  	_ =	shalt  }

// kernel: kernel.17.cloned.1.call-start
scs
__scs_entry_jumppad:
0x0: {  	(pc) =	sbr.rel $0x88, $3  }
0x1: {  	(tag) =	ssettag $0x0;
	lr =	simm.s32 $0x1  }
0x2: {  	[smem:$0x3F94] =	sst lr;
	_ =	strace $0xD0000000  }
0x3: {  	_ = 	snop  }
0x4: {  	_ = 	snop  }
0x5: {  	_ = 	snop  }
0x6: {  	_ = 	snop  }
0x7: {  	_ = 	snop  }
__scs_overlays_trampoline_lowered:
0x8: {  	[smem:$0x3FA3] =	sst s0  }
0x9: {  	[smem:$0x3FA4] =	sst s1  }
0xa: {  	[smem:$0x3FA5] =	sst s2  }
0xb: {  	[smem:$0x3FA6] =	sst s3  }
0xc: {  	[smem:$0x3FA7] =	sst s4  }
0xd: {  	[smem:$0x3FA8] =	sst s5  }
0xe: {  	[smem:$0x3FA9] =	sst s6  }
0xf: {  	[smem:$0x3FAA] =	sst s7  }
0x10: {  	[smem:$0x3FAB] =	sst s8  }
0x11: {  	[smem:$0x3FAC] =	sst s9;
	s0 =	simm.s32 @!p0 $0x0  }
0x12: {  	s1 =	sld [smem:$0x3F92];
	s0 =	simm.s32 @p0 $0x1  }
0x13: {  	[smem:$0x3FAD] =	sst s0;
	s0 =	simm.s32 @!p1 $0x0  }
0x14: {  	s2 =	sld [smem:$0x3F91];
	s0 =	simm.s32 @p1 $0x1  }
0x15: {  	[smem:$0x3FAE] =	sst s0;
	s0 =	simm.s32 @!p2 $0x0  }
0x16: {  	s3 =	sld [smem:$0x3FDB];
	s0 =	simm.s32 @p2 $0x1  }
0x17: {  	s4 =	simm.s32 $0x1BF5;
	[smem:$0x3FB0] =	sst s0  }
0x18: {  	s0 =	sld [smem:$0x3F93];
	_ =	swait.ge [sflag:s4], $0x0  }
0x19: {  	s7 =	sld [smem:$0x3F94]  }
0x1a: {  	s8 =	sadd.s32 $0xFFFFE003, lr  }
0x1b: {  	s9 =	sadd.s32 $0xFFFFFEF7, lr;
	s5 =	simm.s32 $0xFFFFFFFF;
	p2 =	slt.u32 s8, $0xFFFFF086  }
0x1c: {  	p1 =	slt.u32 s9, $0xF7A;
	s5 =	simm.s32 @!p2 $0x0  }
0x1d: {  	s5 =	simm.s32 @p1 $0x1;
	p0 =	seq.s32 s7, s2  }
0x1e: {  	s7 =	smul.u32 @!p0 $0xF7A, s2;
	p2 =	seq.s32 @!p0 s5, $0x0  }
0x1f: {  	s9 =	smul.u32 $0xF7A, s1;
	s8 =	simm.s32 @!p0 $0x1BF5;
	p2 =	por !p2, p0  }
0x20: {  	[sflag:s8] =	ssyncset.s32 @!p0 $0xFFFFF086;
	s6 =	sadd.s32 @!p0 s3, s7;
	s7 =	simm.s32 @!p0 $0x108  }
0x21: {  	s3 =	sadd.s32 s3, s9;
	s6 =	sadd.s32 @!p0 $0x88, s6;
	s7 =	simm.s32 @p2 $0x1082  }
0x22: {  	[simem:s7], [sflag:s8] =	dma.local @!p0 [hbm:s6], $0xF7A  }
0x23: {  	s9 =	sor.u32 $0xD0000000, s2;
	s6 =	simm.s32 $0x108;
	_ =	swait.ge @!p0 [sflag:s8], $0x0  }
0x24: {  	s3 =	sadd.s32 $0x88, s3;
	s6 =	simm.s32 @!p1 $0x1082;
	[sflag:s4] =	ssyncset.s32 $0xFFFFF086  }
0x25: {  	[simem:s6], [sflag:s4] =	dma.local [hbm:s3], $0xF7A  }
0x26: {  	[smem:$0x3F94] =	sst s1;
	(tag) =	ssettag s2;
	_ =	strace s9  }
0x27: {  	s1 =	sld [smem:$0x3FA4]  }
0x28: {  	s2 =	sld [smem:$0x3FA5]  }
0x29: {  	s4 =	sld [smem:$0x3FA7]  }
0x2a: {  	p0 =	seq.s32 s5, $0x0;
	s5 =	sld [smem:$0x3FA8]  }
0x2b: {  	s6 =	sld [smem:$0x3FA9]  }
0x2c: {  	s7 =	sld [smem:$0x3FAA]  }
0x2d: {  	s3 =	simm.s32 $0x108;
	s8 =	sld [smem:$0x3FAB]  }
0x2e: {  	s3 =	simm.s32 @!p0 $0x1082;
	s9 =	sld [smem:$0x3FAC]  }
0x2f: {  	lr =	sadd.s32 s0, s3;
	s0 =	sld [smem:$0x3FA3]  }
0x30: {  	s3 =	sld [smem:$0x3FA6]  }
0x31: {  	[smem:$0x3FAF] =	sst s10  }
0x32: {  	s10 =	sld [smem:$0x3FAD];
	_ =	sdelay $0x3  }
0x33: {  	p0 =	seq.s32 s10, $0x1;
	s10 =	sld [smem:$0x3FAF];
	_ =	sdelay $0x3  }
0x34: {  	[smem:$0x3FAF] =	sst s10  }
0x35: {  	s10 =	sld [smem:$0x3FAE];
	_ =	sdelay $0x3  }
0x36: {  	p1 =	seq.s32 s10, $0x1;
	s10 =	sld [smem:$0x3FAF];
	_ =	sdelay $0x3  }
0x37: {  	[smem:$0x3FAF] =	sst s10  }
0x38: {  	s10 =	sld [smem:$0x3FB0]  }
0x39: {  	_ = 	snop;
	(pc) =	sbr.ind lr, $3  }
0x3a: {  	_ = 	snop  }
0x3b: {  	_ = 	snop  }
0x3c: {  	p2 =	seq.s32 s10, $0x1;
	s10 =	sld [smem:$0x3FAF]  }
0x3d: {  	_ =	shalt  }
0x3e: {  	_ =	shalt  }
0x3f: {  	_ =	shalt  }
0x40: {  	_ =	shalt  }
0x41: {  	_ =	shalt  }
0x42: {  	_ =	shalt  }
0x43: {  	_ =	shalt  }
0x44: {  	_ =	shalt  }
0x45: {  	_ =	shalt  }
0x46: {  	_ =	shalt  }
0x47: {  	_ =	shalt  }
0x48: {  	_ =	shalt  }
0x49: {  	_ =	shalt  }
0x4a: {  	_ =	shalt  }
0x4b: {  	_ =	shalt  }
0x4c: {  	_ =	shalt  }
0x4d: {  	_ =	shalt  }
0x4e: {  	_ =	shalt  }
0x4f: {  	_ =	shalt  }
0x50: {  	_ =	shalt  }
0x51: {  	_ =	shalt  }
0x52: {  	_ =	shalt  }
0x53: {  	_ =	shalt  }
0x54: {  	_ =	shalt  }
0x55: {  	_ =	shalt  }
0x56: {  	_ =	shalt  }
0x57: {  	_ =	shalt  }
0x58: {  	_ =	shalt  }
0x59: {  	_ =	shalt  }
0x5a: {  	_ =	shalt  }
0x5b: {  	_ =	shalt  }
0x5c: {  	_ =	shalt  }
0x5d: {  	_ =	shalt  }
0x5e: {  	_ =	shalt  }
0x5f: {  	_ =	shalt  }
0x60: {  	_ =	shalt  }
0x61: {  	_ =	shalt  }
0x62: {  	_ =	shalt  }
0x63: {  	_ =	shalt  }
0x64: {  	_ =	shalt  }
0x65: {  	_ =	shalt  }
0x66: {  	_ =	shalt  }
0x67: {  	_ =	shalt  }
0x68: {  	_ =	shalt  }
0x69: {  	_ =	shalt  }
0x6a: {  	_ =	shalt  }
0x6b: {  	_ =	shalt  }
0x6c: {  	_ =	shalt  }
0x6d: {  	_ =	shalt  }
0x6e: {  	_ =	shalt  }
0x6f: {  	_ =	shalt  }
0x70: {  	_ =	shalt  }
0x71: {  	_ =	shalt  }
0x72: {  	_ =	shalt  }
0x73: {  	_ =	shalt  }
0x74: {  	_ =	shalt  }
0x75: {  	_ =	shalt  }
0x76: {  	_ =	shalt  }
0x77: {  	_ =	shalt  }
0x78: {  	_ =	shalt  }
0x79: {  	_ =	shalt  }
0x7a: {  	_ =	shalt  }
0x7b: {  	_ =	shalt  }
0x7c: {  	_ =	shalt  }
0x7d: {  	_ =	shalt  }
0x7e: {  	_ =	shalt  }
0x7f: {  	_ =	shalt  }
0x80: {  	_ =	shalt  }
0x81: {  	_ =	shalt  }
0x82: {  	_ =	shalt  }
0x83: {  	_ =	shalt  }
0x84: {  	_ =	shalt  }
0x85: {  	_ =	shalt  }
0x86: {  	_ =	shalt  }
0x87: {  	_ =	shalt  }
.Lfunc_end0:
.L_simem_size_0:
called_computation.2_lowered:
.L_overlay_start_0:
0x88: {  	s2 =	sld [smem:$0x3FD9]  }
0x89: {  	s3 =	sld [smem:$0x3FFE];
	_ =	sdelay $0x1  }
0x8a: {  	s1 =	srdreg.scid  }
0x8b: {  	s0 =	sand.u32 $0x1, s1  }
0x8c: {  	s16 =	sshll.u32 s0, $0xA;
	s2 =	sadd.s32 s3, s2  }
0x8d: {  	s2 =	sadd.s32 s2, s16  }
0x8e: {  	[smem:$0x3FBB] =	sst s2  }
0x8f: {  	_ = 	snop  }
0x90: {  	(tm) =	ssettm $0x1  }
0x91: {  	s17 =	sld [smem:$0x3FFB];
	_ =	sdelay $0x3  }
0x92: {  	_ =	strace s17  }
0x93: {  	s2 =	sld [smem:$0x3FFC];
	_ =	sdelay $0x3  }
0x94: {  	_ =	strace s2  }
0x95: {  	s2 =	sld [smem:$0x3FFD];
	_ =	sdelay $0x3  }
0x96: {  	_ =	strace s2  }
0x97: {  	_ =	strace $0x8FFFFFFF  }
0x98: {  	s18 =	sld [smem:$0x3FDB];
	_ =	sdelay $0x1  }
0x99: {  	s19 =	simm.s32 $_scs_section_size  }
0x9a: {  	s4 =	simm.s32 $_size__tile_overlayer_lowered;
	s5 =	simm.s32 $_tile_overlayer_lowered  }
0x9b: {  	s22 =	simm.s32 $0x1BFF;
	s21 =	sshll.u32 s5, $0x1;
	s2 =	sadd.s32 s19, s18  }
0x9c: {  	s6 =	simm.s32 $0x0;
	s20 =	sshll.u32 s4, $0x1;
	s4 =	sadd.s32 s21, s2  }
0x9d: {  	[timem:s6], [sflag:s22] =	dma.local [hbm:s4], s20  }
0x9e: {  	_ =	swait.ge [sflag:s22], s20  }
0x9f: {  	s3 =	ssub.s32 $0x0, s20;
	[sflag:s22] =	ssyncset.done $0x0  }
0xa0: {  	[sflag:s22] =	ssyncadd.s32 s3;
	_ =	sdelay $0x1  }
0xa1: {  	s23 =	simm.s32 $0x1B8B  }
0xa2: {  	_ =	swait.ge [sflag:s23], $0x1  }
0xa3: {  	[sflag:s23] =	ssyncset.done $0x0  }
0xa4: {  	s25 =	simm.s32 $0x1B8E;
	s24 =	sld [smem:$0x3FFE];
	[sflag:s23] =	ssyncadd.s32 $0xFFFFFFFF  }
0xa5: {  	s26 =	simm.s32 $execute0_lowered;
	[smem:$0x3FD2] =	sst s25  }
0xa6: {  	s4 =	sshll.u32 s26, $0x1;
	_ =	strace $0x8000004C;
	[dreg:$0x1] =	wrdreg $0xFFFFFFFF  }
0xa7: {  	s28 =	simm.s32 $_size_execute0_lowered;
	s2 =	sadd.s32 s2, s4;
	[dreg:$0x0] =	wrdreg $0x0  }
0xa8: {  	s4 =	sshll.u32 s28, $0x1;
	[dreg:$0x2] =	wrdreg s2  }
0xa9: {  	[dreg:$0x3] =	wrdreg s4  }
0xaa: {  	[dreg:$0x4] =	wrdreg $0xC0  }
0xab: {  	_ =	task [dreg:s6], $0x5FFFF  }
0xac: {  	[dreg:$0x1] =	wrdreg $0xFFFFFFFF  }
0xad: {  	[dreg:$0x0] =	wrdreg $0x60  }
0xae: {  	[dreg:$0x2] =	wrdreg s24  }
0xaf: {  	[dreg:$0x3] =	wrdreg $0x117000  }
0xb0: {  	[dreg:$0x4] =	wrdreg $0x9  }
0xb1: {  	_ =	task.clear_ibuf [dreg:s6], $0x5FFFF;
	_ =	strace $0x9000004C  }
0xb2: {  	s29 =	simm.s32 $0x9;
	_ =	strace $0x8000004E  }
0xb3: {  	_ =	swait.ge [sflag:s29], $0x1  }
0xb4: {  	[sflag:s29] =	ssyncadd.s32 $0xFFFFFFFF  }
0xb5: {  	_ =	strace $0x9000004E  }
0xb6: {  	_ =	sfence  }
0xb7: {  	s30 =	sld [smem:$0x0];
	_ =	sdelay $0x2  }
0xb8: {  	s31 =	sshll.u32 s1, $0xD;
	s1 =	sshrl.u32 s1, $0x2  }
0xb9: {  	s3 =	sand.u32 $0x4000, s31;
	s1 =	sadd.s32 s1, s30  }
0xba: {  	s0 =	sor.u32 s3, s0;
	s1 =	sshll.u32 s1, $0x11  }
0xbb: {  	s0 =	sor.u32 s1, s0  }
0xbc: {  	s0 =	sadd.s32 $0x8F2B, s0  }
0xbd: {  	[sflag:s0] =	ssyncadd.remote.s32 $0x1  }
0xbe: {  	_ =	sfence.sel $0xFFFF  }
0xbf: {  	[dreg:$0x0] =	wrdreg $0xFFFFFFFF;
	(pc) =	sbr.abs _section_cstart, $3  }
0xc0: {  	[dreg:$0x1] =	wrdreg $0xFFFFFFFF  }
0xc1: {  	_ =	task.clear_ibuf [dreg:s6], $0x2FFFF;
	_ =	strace $0x9FFFFFFF  }
0xc2: {  	(tm) =	ssettm $0x7FFFFFFF  }
0xc3: {  	_ =	shalt  }
tec
execute0_lowered:
.L_overlay_start_1:
0x0: {  	(tag) =	ssettag $0x1  }
0x1: {  	s5 =	rddreg [dreg:$0x0]  }
0x2: {  	s2 =	rddreg [dreg:$0x1];
	s3 =	srdreg.scid  }
0x3: {  	s1 =	stileid.u32;
	s0 =	rddreg [dreg:$0x2];
	s12 =	simm.s32 $0x2C80  }
0x4: {  	s13 =	simm.s32 $0x7900;
	s14 =	simm.s32 $0x80;
	s15 =	simm.s32 $0x5900  }
0x5: {  	s16 =	simm.s32 $0x0;
	s6 =	sand.u32 $0x1, s3;
	s8 =	smul.u32 $0x9E00, s1  }
0x6: {  	s3 =	simm.s32 $0x0;
	s4 =	sshll.u32 s1, $0x1;
	s7 =	smul.u32 $0x9E000, s6  }
0x7: {  	[smem:$0x7FF] =	sst s3;
	s4 =	sor.u32 s6, s4;
	s10 =	ssub.s32 $0x2, s6  }
0x8: {  	p0 =	seq.s32 s6, $0x0;
	_ =	strace $0x8000004D;
	s9 =	smul.u32 $0x590, s4  }
0x9: {  	s4 =	sadd.s32 $0x22400, s5;
	s31 =	sshrl.u32 s10, $0x1;
	s7 =	sadd.s32 s8, s7  }
0xa: {  	s10 =	ssub.s32 s10, s31;
	s8 =	sadd.s32 s8, s2;
	s7 =	sshrl.u32 s7, $0x3  }
0xb: {  	s9 =	sadd.s32 s9, s5;
	s10 =	smax.u32 s10, $0x1;
	s11 =	sadd.s32 s7, s5  }
0xc: {  	s5 =	simm.s32 $0x59;
	s6 =	sadd.s32 $0x17200, s9;
	s7 =	sadd.s32 $0x2000, s9  }
0xd: {  	v0 =	vimm.f32 $0.0e+00;
	s5 =	simm.s32 @!p0 $0x44;
	s9 =	sadd.s32 $0x35E00, s11;
	s11 =	simm.s32 $0x1  }
.LBB2_1:
0xe: {  	[tilespmem:s3], [sflag:$0x1] =	stream.linear.gather [hbm4b:s6+s3], $0x2C80, $0x38;
	[tilespmem:$0x1B500] =	vst v63  }
0xf: {  	_ =	swait.ge [sflag:s11], $0x2C80  }
0x10: {  	[sflag:s11] =	ssyncset.done $0x0  }
0x11: {  	[sflag:s11] =	ssyncadd.s32 $0xFFFFD380  }
0x12: {  	[tilespmem:s12], [sflag:$0x1] =	stream.linear.gather [hbm4b:s7+s3], $0x2C80, $0x38;
	[tilespmem:$0x1B500] =	vst v63  }
0x13: {  	_ =	swait.ge [sflag:s11], $0x2C80  }
0x14: {  	[sflag:s11] =	ssyncset.done $0x0  }
0x15: {  	s18 =	simm.s32 $0x100;
	s17 =	simm.s32 $0x0;
	[sflag:s11] =	ssyncadd.s32 $0xFFFFD380  }
.LBB2_2:
0x16: {  	p0 =	sne.s32 s18, $0x27700;
	[tilespmem:s17+$0x7930] =	vst v0;
	s19 =	smov.u32 s18;
	s18 =	sadd.s32 $0x100, s18  }
.Ltmp0:
0x17: {  	[tilespmem:s17+$0x7920] =	vst v0;
	(pc) =	sbr.rel @p0 .LBB2_2-.Ltmp0, $3  }
0x18: {  	[tilespmem:s17+$0x7900] =	vst v0  }
0x19: {  	[tilespmem:s17+$0x7910] =	vst v0;
	_ =	sdelay $0x1  }
0x1a: {  	s17 =	sshra.s32 s19, $0x2  }
0x1b: {  	[tilespmem:s17+$0x7930] =	vst v0  }
0x1c: {  	[tilespmem:s17+$0x7920] =	vst v0  }
0x1d: {  	[tilespmem:s17+$0x7900] =	vst v0  }
0x1e: {  	[tilespmem:s17+$0x7910] =	vst v0  }
0x1f: {  	[spmem:s8] =	stream.linear.scatter [tilespmem:s13], [sflag:$0x1], $0x9E00, $0x38;
	[tilespmem:$0x1B500] =	vst v63  }
0x20: {  	_ =	swait.ge [sflag:s11], $0x9E00  }
0x21: {  	[sflag:s11] =	ssyncset.done $0x0  }
0x22: {  	[sflag:s11] =	ssyncadd.s32 $0xFFFF6200  }
0x23: {  	s17 =	simm.s32 $0x0;
	[bflag:$0x0] =	sbarrier.arrive $0xFFFF  }
0x24: {  	[tilespmem:s15], [sflag:$0x1] =	stream.indirect.gather [hbm4b:s4+s14], $0x40, s17, s14, $0xb8;
	[tilespmem:$0x1B500] =	vst v63  }
0x25: {  	p0 =	sne.s32 s5, $0x1;
	_ =	swait.ge [sflag:s11], $0x2000  }
.Ltmp1:
0x26: {  	[sflag:s11] =	ssyncset.done $0x0;
	(pc) =	sbr.rel @!p0 .LBB2_5-.Ltmp1, $4  }
0x27: {  	s18 =	simm.s32 $0x2C80;
	[sflag:s11] =	ssyncadd.s32 $0xFFFFE000  }
0x28: {  	[spmem:s2] =	stream.indirect.scatter.add.f32 [tilespmem:s15], [sflag:$0x1], $0x40, s18, s14, $0xb8;
	[tilespmem:$0x1B500] =	vst v63  }
0x29: {  	_ =	swait.ge [sflag:s11], $0x2000  }
0x2a: {  	s19 =	sadd.s32 $0xFFFFFFFF, s5;
	[sflag:s11] =	ssyncset.done $0x0  }
.LBB2_4:
0x2b: {  	[sflag:s11] =	ssyncadd.s32 $0xFFFFE000;
	s17 =	sadd.s32 $0x80, s17;
	s18 =	sadd.s32 $0x80, s18  }
0x2c: {  	[tilespmem:s15], [sflag:$0x1] =	stream.indirect.gather [hbm4b:s4+s14], $0x40, s17, s14, $0xb8;
	[tilespmem:$0x1B500] =	vst v63  }
0x2d: {  	p0 =	sne.s32 s19, $0x1;
	s19 =	sadd.s32 $0xFFFFFFFF, s19;
	_ =	swait.ge [sflag:s11], $0x2000  }
.Ltmp2:
0x2e: {  	[sflag:s11] =	ssyncset.done $0x0;
	(pc) =	sbr.rel @p0 .LBB2_4-.Ltmp2, $4  }
0x2f: {  	[sflag:s11] =	ssyncadd.s32 $0xFFFFE000  }
0x30: {  	[spmem:s2] =	stream.indirect.scatter.add.f32 [tilespmem:s15], [sflag:$0x1], $0x40, s18, s14, $0xb8;
	[tilespmem:$0x1B500] =	vst v63  }
0x31: {  	_ =	swait.ge [sflag:s11], $0x2000  }
0x32: {  	[sflag:s11] =	ssyncset.done $0x0  }
.LBB2_5:
0x33: {  	[sflag:s11] =	ssyncadd.s32 $0xFFFFE000  }
0x34: {  	[bflag:$0x0] =	sbarrier.arrive $0xFFFF  }
0x35: {  	[tilespmem:s13], [sflag:$0x1] =	stream.linear.gather [spmem:s8], $0x9E00, $0x38;
	[tilespmem:$0x1B500] =	vst v63  }
0x36: {  	s16 =	sadd.s32 $0x1, s16;
	_ =	swait.ge [sflag:s11], $0x9E00  }
0x37: {  	p0 =	sne.s32 s16, s10;
	[sflag:s11] =	ssyncset.done $0x0  }
.Ltmp3:
0x38: {  	[sflag:s11] =	ssyncadd.s32 $0xFFFF6200;
	(pc) =	sbr.rel @p0 .LBB2_1-.Ltmp3, $4  }
0x39: {  	[hbm4b:s9+s3] =	stream.linear.scatter [tilespmem:s13], [sflag:$0x1], $0x9E00, $0x38;
	[tilespmem:$0x1B500] =	vst v63  }
0x3a: {  	_ =	swait.ge [sflag:s11], $0x9E00  }
0x3b: {  	[sflag:s11] =	ssyncset.done $0x0  }
0x3c: {  	[sflag:s11] =	ssyncadd.s32 $0xFFFF6200  }
0x3d: {  	_ =	sfence.sel $0x180000  }
0x3e: {  	[bflag:$0x0] =	sbarrier.arrive $0xFFFF  }
0x3f: {  	p0 =	sne.s32 s1, $0x0;
	_ =	strace $0x9000004D  }
0x40: {  	s0 =	sadd.s32 @!p0 $0x100000, s0;
	[bflag:$0x2] =	sbarrier.arrive $0xFFFF  }
0x41: {  	[sflag:s0] =	ssyncadd.tile.s32 @!p0 $0x1;
	_ =	shalt  }
.Lfunc_end2:
_tile_overlayer_lowered:
.L_overlay_start_2:
0x42: {  	(tag) =	ssettag $0x2  }
0x43: {  	s0 =	rddreg [dreg:$0x0];
	s2 =	stileid.u32  }
0x44: {  	s1 =	rddreg [dreg:$0x1];
	p0 =	sne.s32 s2, $0x0  }
0x45: {  	s3 =	rddreg [dreg:$0x2];
	[bflag:$0x3] =	sbarrier.arrive $0xFFFF;
	s2 =	simm.s32 @!p0 $0x1C01  }
0x46: {  	[timem:s3], [sflag:s2] =	dma.local @!p0 [hbm:s0], s1  }
0x47: {  	s0 =	simm.s32 @!p0 $0x1  }
0x48: {  	_ =	swait.ge @!p0 [sflag:s0], s1  }
0x49: {  	s1 =	ssub.s32 @!p0 $0x0, s1;
	[sflag:s0] =	ssyncset.done @!p0 $0x0  }
0x4a: {  	[sflag:s0] =	ssyncadd.s32 @!p0 s1  }
0x4b: {  	[bflag:$0x3] =	sbarrier.arrive $0xFFFF  }
0x4c: {  	_ =	shalt  }

// kernel: kernel.20.cloned.1.call-start
scs
__scs_entry_jumppad:
0x0: {  	(pc) =	sbr.rel $0x88, $3  }
0x1: {  	(tag) =	ssettag $0x0;
	lr =	simm.s32 $0x1  }
0x2: {  	[smem:$0x3F94] =	sst lr;
	_ =	strace $0xD0000000  }
0x3: {  	_ = 	snop  }
0x4: {  	_ = 	snop  }
0x5: {  	_ = 	snop  }
0x6: {  	_ = 	snop  }
0x7: {  	_ = 	snop  }
__scs_overlays_trampoline_lowered:
0x8: {  	[smem:$0x3FA3] =	sst s0  }
0x9: {  	[smem:$0x3FA4] =	sst s1  }
0xa: {  	[smem:$0x3FA5] =	sst s2  }
0xb: {  	[smem:$0x3FA6] =	sst s3  }
0xc: {  	[smem:$0x3FA7] =	sst s4  }
0xd: {  	[smem:$0x3FA8] =	sst s5  }
0xe: {  	[smem:$0x3FA9] =	sst s6  }
0xf: {  	[smem:$0x3FAA] =	sst s7  }
0x10: {  	[smem:$0x3FAB] =	sst s8  }
0x11: {  	[smem:$0x3FAC] =	sst s9;
	s0 =	simm.s32 @!p0 $0x0  }
0x12: {  	s1 =	sld [smem:$0x3F92];
	s0 =	simm.s32 @p0 $0x1  }
0x13: {  	[smem:$0x3FAD] =	sst s0;
	s0 =	simm.s32 @!p1 $0x0  }
0x14: {  	s2 =	sld [smem:$0x3F91];
	s0 =	simm.s32 @p1 $0x1  }
0x15: {  	[smem:$0x3FAE] =	sst s0;
	s0 =	simm.s32 @!p2 $0x0  }
0x16: {  	s3 =	sld [smem:$0x3FDB];
	s0 =	simm.s32 @p2 $0x1  }
0x17: {  	s4 =	simm.s32 $0x1BF5;
	[smem:$0x3FB0] =	sst s0  }
0x18: {  	s0 =	sld [smem:$0x3F93];
	_ =	swait.ge [sflag:s4], $0x0  }
0x19: {  	s7 =	sld [smem:$0x3F94]  }
0x1a: {  	s8 =	sadd.s32 $0xFFFFE003, lr  }
0x1b: {  	s9 =	sadd.s32 $0xFFFFFEF7, lr;
	s5 =	simm.s32 $0xFFFFFFFF;
	p2 =	slt.u32 s8, $0xFFFFF086  }
0x1c: {  	p1 =	slt.u32 s9, $0xF7A;
	s5 =	simm.s32 @!p2 $0x0  }
0x1d: {  	s5 =	simm.s32 @p1 $0x1;
	p0 =	seq.s32 s7, s2  }
0x1e: {  	s7 =	smul.u32 @!p0 $0xF7A, s2;
	p2 =	seq.s32 @!p0 s5, $0x0  }
0x1f: {  	s9 =	smul.u32 $0xF7A, s1;
	s8 =	simm.s32 @!p0 $0x1BF5;
	p2 =	por !p2, p0  }
0x20: {  	[sflag:s8] =	ssyncset.s32 @!p0 $0xFFFFF086;
	s6 =	sadd.s32 @!p0 s3, s7;
	s7 =	simm.s32 @!p0 $0x108  }
0x21: {  	s3 =	sadd.s32 s3, s9;
	s6 =	sadd.s32 @!p0 $0x88, s6;
	s7 =	simm.s32 @p2 $0x1082  }
0x22: {  	[simem:s7], [sflag:s8] =	dma.local @!p0 [hbm:s6], $0xF7A  }
0x23: {  	s9 =	sor.u32 $0xD0000000, s2;
	s6 =	simm.s32 $0x108;
	_ =	swait.ge @!p0 [sflag:s8], $0x0  }
0x24: {  	s3 =	sadd.s32 $0x88, s3;
	s6 =	simm.s32 @!p1 $0x1082;
	[sflag:s4] =	ssyncset.s32 $0xFFFFF086  }
0x25: {  	[simem:s6], [sflag:s4] =	dma.local [hbm:s3], $0xF7A  }
0x26: {  	[smem:$0x3F94] =	sst s1;
	(tag) =	ssettag s2;
	_ =	strace s9  }
0x27: {  	s1 =	sld [smem:$0x3FA4]  }
0x28: {  	s2 =	sld [smem:$0x3FA5]  }
0x29: {  	s4 =	sld [smem:$0x3FA7]  }
0x2a: {  	p0 =	seq.s32 s5, $0x0;
	s5 =	sld [smem:$0x3FA8]  }
0x2b: {  	s6 =	sld [smem:$0x3FA9]  }
0x2c: {  	s7 =	sld [smem:$0x3FAA]  }
0x2d: {  	s3 =	simm.s32 $0x108;
	s8 =	sld [smem:$0x3FAB]  }
0x2e: {  	s3 =	simm.s32 @!p0 $0x1082;
	s9 =	sld [smem:$0x3FAC]  }
0x2f: {  	lr =	sadd.s32 s0, s3;
	s0 =	sld [smem:$0x3FA3]  }
0x30: {  	s3 =	sld [smem:$0x3FA6]  }
0x31: {  	[smem:$0x3FAF] =	sst s10  }
0x32: {  	s10 =	sld [smem:$0x3FAD];
	_ =	sdelay $0x3  }
0x33: {  	p0 =	seq.s32 s10, $0x1;
	s10 =	sld [smem:$0x3FAF];
	_ =	sdelay $0x3  }
0x34: {  	[smem:$0x3FAF] =	sst s10  }
0x35: {  	s10 =	sld [smem:$0x3FAE];
	_ =	sdelay $0x3  }
0x36: {  	p1 =	seq.s32 s10, $0x1;
	s10 =	sld [smem:$0x3FAF];
	_ =	sdelay $0x3  }
0x37: {  	[smem:$0x3FAF] =	sst s10  }
0x38: {  	s10 =	sld [smem:$0x3FB0]  }
0x39: {  	_ = 	snop;
	(pc) =	sbr.ind lr, $3  }
0x3a: {  	_ = 	snop  }
0x3b: {  	_ = 	snop  }
0x3c: {  	p2 =	seq.s32 s10, $0x1;
	s10 =	sld [smem:$0x3FAF]  }
0x3d: {  	_ =	shalt  }
0x3e: {  	_ =	shalt  }
0x3f: {  	_ =	shalt  }
0x40: {  	_ =	shalt  }
0x41: {  	_ =	shalt  }
0x42: {  	_ =	shalt  }
0x43: {  	_ =	shalt  }
0x44: {  	_ =	shalt  }
0x45: {  	_ =	shalt  }
0x46: {  	_ =	shalt  }
0x47: {  	_ =	shalt  }
0x48: {  	_ =	shalt  }
0x49: {  	_ =	shalt  }
0x4a: {  	_ =	shalt  }
0x4b: {  	_ =	shalt  }
0x4c: {  	_ =	shalt  }
0x4d: {  	_ =	shalt  }
0x4e: {  	_ =	shalt  }
0x4f: {  	_ =	shalt  }
0x50: {  	_ =	shalt  }
0x51: {  	_ =	shalt  }
0x52: {  	_ =	shalt  }
0x53: {  	_ =	shalt  }
0x54: {  	_ =	shalt  }
0x55: {  	_ =	shalt  }
0x56: {  	_ =	shalt  }
0x57: {  	_ =	shalt  }
0x58: {  	_ =	shalt  }
0x59: {  	_ =	shalt  }
0x5a: {  	_ =	shalt  }
0x5b: {  	_ =	shalt  }
0x5c: {  	_ =	shalt  }
0x5d: {  	_ =	shalt  }
0x5e: {  	_ =	shalt  }
0x5f: {  	_ =	shalt  }
0x60: {  	_ =	shalt  }
0x61: {  	_ =	shalt  }
0x62: {  	_ =	shalt  }
0x63: {  	_ =	shalt  }
0x64: {  	_ =	shalt  }
0x65: {  	_ =	shalt  }
0x66: {  	_ =	shalt  }
0x67: {  	_ =	shalt  }
0x68: {  	_ =	shalt  }
0x69: {  	_ =	shalt  }
0x6a: {  	_ =	shalt  }
0x6b: {  	_ =	shalt  }
0x6c: {  	_ =	shalt  }
0x6d: {  	_ =	shalt  }
0x6e: {  	_ =	shalt  }
0x6f: {  	_ =	shalt  }
0x70: {  	_ =	shalt  }
0x71: {  	_ =	shalt  }
0x72: {  	_ =	shalt  }
0x73: {  	_ =	shalt  }
0x74: {  	_ =	shalt  }
0x75: {  	_ =	shalt  }
0x76: {  	_ =	shalt  }
0x77: {  	_ =	shalt  }
0x78: {  	_ =	shalt  }
0x79: {  	_ =	shalt  }
0x7a: {  	_ =	shalt  }
0x7b: {  	_ =	shalt  }
0x7c: {  	_ =	shalt  }
0x7d: {  	_ =	shalt  }
0x7e: {  	_ =	shalt  }
0x7f: {  	_ =	shalt  }
0x80: {  	_ =	shalt  }
0x81: {  	_ =	shalt  }
0x82: {  	_ =	shalt  }
0x83: {  	_ =	shalt  }
0x84: {  	_ =	shalt  }
0x85: {  	_ =	shalt  }
0x86: {  	_ =	shalt  }
0x87: {  	_ =	shalt  }
.Lfunc_end0:
.L_simem_size_0:
called_computation.3_lowered:
.L_overlay_start_0:
0x88: {  	s2 =	sld [smem:$0x3FD9]  }
0x89: {  	s3 =	sld [smem:$0x3FFE];
	_ =	sdelay $0x1  }
0x8a: {  	s1 =	srdreg.scid  }
0x8b: {  	s0 =	sand.u32 $0x1, s1  }
0x8c: {  	s16 =	sshll.u32 s0, $0xA;
	s2 =	sadd.s32 s3, s2  }
0x8d: {  	s2 =	sadd.s32 s2, s16  }
0x8e: {  	[smem:$0x3FBB] =	sst s2  }
0x8f: {  	_ = 	snop  }
0x90: {  	(tm) =	ssettm $0x1  }
0x91: {  	s17 =	sld [smem:$0x3FFB];
	_ =	sdelay $0x3  }
0x92: {  	_ =	strace s17  }
0x93: {  	s2 =	sld [smem:$0x3FFC];
	_ =	sdelay $0x3  }
0x94: {  	_ =	strace s2  }
0x95: {  	s2 =	sld [smem:$0x3FFD];
	_ =	sdelay $0x3  }
0x96: {  	_ =	strace s2  }
0x97: {  	_ =	strace $0x8FFFFFFF  }
0x98: {  	s18 =	sld [smem:$0x3FDB];
	_ =	sdelay $0x1  }
0x99: {  	s19 =	simm.s32 $_scs_section_size  }
0x9a: {  	s4 =	simm.s32 $_size__tile_overlayer_lowered;
	s5 =	simm.s32 $_tile_overlayer_lowered  }
0x9b: {  	s22 =	simm.s32 $0x1BFF;
	s21 =	sshll.u32 s5, $0x1;
	s2 =	sadd.s32 s19, s18  }
0x9c: {  	s6 =	simm.s32 $0x0;
	s20 =	sshll.u32 s4, $0x1;
	s4 =	sadd.s32 s21, s2  }
0x9d: {  	[timem:s6], [sflag:s22] =	dma.local [hbm:s4], s20  }
0x9e: {  	_ =	swait.ge [sflag:s22], s20  }
0x9f: {  	s3 =	ssub.s32 $0x0, s20;
	[sflag:s22] =	ssyncset.done $0x0  }
0xa0: {  	[sflag:s22] =	ssyncadd.s32 s3;
	_ =	sdelay $0x1  }
0xa1: {  	s23 =	simm.s32 $0x1B8B  }
0xa2: {  	_ =	swait.ge [sflag:s23], $0x1  }
0xa3: {  	[sflag:s23] =	ssyncset.done $0x0  }
0xa4: {  	s25 =	simm.s32 $0x1B8E;
	s24 =	sld [smem:$0x3FFE];
	[sflag:s23] =	ssyncadd.s32 $0xFFFFFFFF  }
0xa5: {  	s26 =	simm.s32 $execute0_lowered;
	[smem:$0x3FD2] =	sst s25  }
0xa6: {  	s4 =	sshll.u32 s26, $0x1;
	_ =	strace $0x8000004F;
	[dreg:$0x1] =	wrdreg $0xFFFFFFFF  }
0xa7: {  	s28 =	simm.s32 $_size_execute0_lowered;
	s2 =	sadd.s32 s2, s4;
	[dreg:$0x0] =	wrdreg $0x0  }
0xa8: {  	s4 =	sshll.u32 s28, $0x1;
	[dreg:$0x2] =	wrdreg s2  }
0xa9: {  	[dreg:$0x3] =	wrdreg s4  }
0xaa: {  	[dreg:$0x4] =	wrdreg $0xC0  }
0xab: {  	_ =	task [dreg:s6], $0x5FFFF  }
0xac: {  	[dreg:$0x1] =	wrdreg $0xFFFFFFFF  }
0xad: {  	[dreg:$0x0] =	wrdreg $0x60  }
0xae: {  	[dreg:$0x2] =	wrdreg s24  }
0xaf: {  	[dreg:$0x3] =	wrdreg $0x117000  }
0xb0: {  	[dreg:$0x4] =	wrdreg $0x9  }
0xb1: {  	_ =	task.clear_ibuf [dreg:s6], $0x5FFFF;
	_ =	strace $0x9000004F  }
0xb2: {  	s29 =	simm.s32 $0x9;
	_ =	strace $0x80000051  }
0xb3: {  	_ =	swait.ge [sflag:s29], $0x1  }
0xb4: {  	[sflag:s29] =	ssyncadd.s32 $0xFFFFFFFF  }
0xb5: {  	_ =	strace $0x90000051  }
0xb6: {  	_ =	sfence  }
0xb7: {  	s30 =	sld [smem:$0x0];
	_ =	sdelay $0x2  }
0xb8: {  	s31 =	sshll.u32 s1, $0xD;
	s1 =	sshrl.u32 s1, $0x2  }
0xb9: {  	s3 =	sand.u32 $0x4000, s31;
	s1 =	sadd.s32 s1, s30  }
0xba: {  	s0 =	sor.u32 s3, s0;
	s1 =	sshll.u32 s1, $0x11  }
0xbb: {  	s0 =	sor.u32 s1, s0  }
0xbc: {  	s0 =	sadd.s32 $0x8F2B, s0  }
0xbd: {  	[sflag:s0] =	ssyncadd.remote.s32 $0x1  }
0xbe: {  	_ =	sfence.sel $0xFFFF  }
0xbf: {  	[dreg:$0x0] =	wrdreg $0xFFFFFFFF;
	(pc) =	sbr.abs _section_cstart, $3  }
0xc0: {  	[dreg:$0x1] =	wrdreg $0xFFFFFFFF  }
0xc1: {  	_ =	task.clear_ibuf [dreg:s6], $0x2FFFF;
	_ =	strace $0x9FFFFFFF  }
0xc2: {  	(tm) =	ssettm $0x7FFFFFFF  }
0xc3: {  	_ =	shalt  }
tec
execute0_lowered:
.L_overlay_start_1:
0x0: {  	(tag) =	ssettag $0x1  }
0x1: {  	s5 =	rddreg [dreg:$0x0]  }
0x2: {  	s2 =	rddreg [dreg:$0x1];
	s3 =	srdreg.scid  }
0x3: {  	s1 =	stileid.u32;
	s0 =	rddreg [dreg:$0x2];
	s12 =	simm.s32 $0x2C80  }
0x4: {  	s13 =	simm.s32 $0x7900;
	s14 =	simm.s32 $0x80;
	s15 =	simm.s32 $0x5900  }
0x5: {  	s16 =	simm.s32 $0x0;
	s6 =	sand.u32 $0x1, s3;
	s8 =	smul.u32 $0x9E00, s1  }
0x6: {  	s3 =	simm.s32 $0x0;
	s4 =	sshll.u32 s1, $0x1;
	s7 =	smul.u32 $0x9E000, s6  }
0x7: {  	[smem:$0x7FF] =	sst s3;
	s4 =	sor.u32 s6, s4;
	s10 =	ssub.s32 $0x2, s6  }
0x8: {  	p0 =	seq.s32 s6, $0x0;
	_ =	strace $0x80000050;
	s9 =	smul.u32 $0x590, s4  }
0x9: {  	s4 =	sadd.s32 $0x22400, s5;
	s31 =	sshrl.u32 s10, $0x1;
	s7 =	sadd.s32 s8, s7  }
0xa: {  	s10 =	ssub.s32 s10, s31;
	s8 =	sadd.s32 s8, s2;
	s7 =	sshrl.u32 s7, $0x3  }
0xb: {  	s9 =	sadd.s32 s9, s5;
	s10 =	smax.u32 s10, $0x1;
	s11 =	sadd.s32 s7, s5  }
0xc: {  	s5 =	simm.s32 $0x59;
	s6 =	sadd.s32 $0x17200, s9;
	s7 =	sadd.s32 $0x2000, s9  }
0xd: {  	v0 =	vimm.f32 $0.0e+00;
	s5 =	simm.s32 @!p0 $0x44;
	s9 =	sadd.s32 $0x35E00, s11;
	s11 =	simm.s32 $0x1  }
.LBB2_1:
0xe: {  	[tilespmem:s3], [sflag:$0x1] =	stream.linear.gather [hbm4b:s6+s3], $0x2C80, $0x38;
	[tilespmem:$0x1B500] =	vst v63  }
0xf: {  	_ =	swait.ge [sflag:s11], $0x2C80  }
0x10: {  	[sflag:s11] =	ssyncset.done $0x0  }
0x11: {  	[sflag:s11] =	ssyncadd.s32 $0xFFFFD380  }
0x12: {  	[tilespmem:s12], [sflag:$0x1] =	stream.linear.gather [hbm4b:s7+s3], $0x2C80, $0x38;
	[tilespmem:$0x1B500] =	vst v63  }
0x13: {  	_ =	swait.ge [sflag:s11], $0x2C80  }
0x14: {  	[sflag:s11] =	ssyncset.done $0x0  }
0x15: {  	s18 =	simm.s32 $0x100;
	s17 =	simm.s32 $0x0;
	[sflag:s11] =	ssyncadd.s32 $0xFFFFD380  }
.LBB2_2:
0x16: {  	p0 =	sne.s32 s18, $0x27700;
	[tilespmem:s17+$0x7930] =	vst v0;
	s19 =	smov.u32 s18;
	s18 =	sadd.s32 $0x100, s18  }
.Ltmp0:
0x17: {  	[tilespmem:s17+$0x7920] =	vst v0;
	(pc) =	sbr.rel @p0 .LBB2_2-.Ltmp0, $3  }
0x18: {  	[tilespmem:s17+$0x7900] =	vst v0  }
0x19: {  	[tilespmem:s17+$0x7910] =	vst v0;
	_ =	sdelay $0x1  }
0x1a: {  	s17 =	sshra.s32 s19, $0x2  }
0x1b: {  	[tilespmem:s17+$0x7930] =	vst v0  }
0x1c: {  	[tilespmem:s17+$0x7920] =	vst v0  }
0x1d: {  	[tilespmem:s17+$0x7900] =	vst v0  }
0x1e: {  	[tilespmem:s17+$0x7910] =	vst v0  }
0x1f: {  	[spmem:s8] =	stream.linear.scatter [tilespmem:s13], [sflag:$0x1], $0x9E00, $0x38;
	[tilespmem:$0x1B500] =	vst v63  }
0x20: {  	_ =	swait.ge [sflag:s11], $0x9E00  }
0x21: {  	[sflag:s11] =	ssyncset.done $0x0  }
0x22: {  	[sflag:s11] =	ssyncadd.s32 $0xFFFF6200  }
0x23: {  	s17 =	simm.s32 $0x0;
	[bflag:$0x0] =	sbarrier.arrive $0xFFFF  }
0x24: {  	[tilespmem:s15], [sflag:$0x1] =	stream.indirect.gather [hbm4b:s4+s14], $0x40, s17, s14, $0xb8;
	[tilespmem:$0x1B500] =	vst v63  }
0x25: {  	p0 =	sne.s32 s5, $0x1;
	_ =	swait.ge [sflag:s11], $0x2000  }
.Ltmp1:
0x26: {  	[sflag:s11] =	ssyncset.done $0x0;
	(pc) =	sbr.rel @!p0 .LBB2_5-.Ltmp1, $4  }
0x27: {  	s18 =	simm.s32 $0x2C80;
	[sflag:s11] =	ssyncadd.s32 $0xFFFFE000  }
0x28: {  	[spmem:s2] =	stream.indirect.scatter.add.f32 [tilespmem:s15], [sflag:$0x1], $0x40, s18, s14, $0xb8;
	[tilespmem:$0x1B500] =	vst v63  }
0x29: {  	_ =	swait.ge [sflag:s11], $0x2000  }
0x2a: {  	s19 =	sadd.s32 $0xFFFFFFFF, s5;
	[sflag:s11] =	ssyncset.done $0x0  }
.LBB2_4:
0x2b: {  	[sflag:s11] =	ssyncadd.s32 $0xFFFFE000;
	s17 =	sadd.s32 $0x80, s17;
	s18 =	sadd.s32 $0x80, s18  }
0x2c: {  	[tilespmem:s15], [sflag:$0x1] =	stream.indirect.gather [hbm4b:s4+s14], $0x40, s17, s14, $0xb8;
	[tilespmem:$0x1B500] =	vst v63  }
0x2d: {  	p0 =	sne.s32 s19, $0x1;
	s19 =	sadd.s32 $0xFFFFFFFF, s19;
	_ =	swait.ge [sflag:s11], $0x2000  }
.Ltmp2:
0x2e: {  	[sflag:s11] =	ssyncset.done $0x0;
	(pc) =	sbr.rel @p0 .LBB2_4-.Ltmp2, $4  }
0x2f: {  	[sflag:s11] =	ssyncadd.s32 $0xFFFFE000  }
0x30: {  	[spmem:s2] =	stream.indirect.scatter.add.f32 [tilespmem:s15], [sflag:$0x1], $0x40, s18, s14, $0xb8;
	[tilespmem:$0x1B500] =	vst v63  }
0x31: {  	_ =	swait.ge [sflag:s11], $0x2000  }
0x32: {  	[sflag:s11] =	ssyncset.done $0x0  }
.LBB2_5:
0x33: {  	[sflag:s11] =	ssyncadd.s32 $0xFFFFE000  }
0x34: {  	[bflag:$0x0] =	sbarrier.arrive $0xFFFF  }
0x35: {  	[tilespmem:s13], [sflag:$0x1] =	stream.linear.gather [spmem:s8], $0x9E00, $0x38;
	[tilespmem:$0x1B500] =	vst v63  }
0x36: {  	s16 =	sadd.s32 $0x1, s16;
	_ =	swait.ge [sflag:s11], $0x9E00  }
0x37: {  	p0 =	sne.s32 s16, s10;
	[sflag:s11] =	ssyncset.done $0x0  }
.Ltmp3:
0x38: {  	[sflag:s11] =	ssyncadd.s32 $0xFFFF6200;
	(pc) =	sbr.rel @p0 .LBB2_1-.Ltmp3, $4  }
0x39: {  	[hbm4b:s9+s3] =	stream.linear.scatter [tilespmem:s13], [sflag:$0x1], $0x9E00, $0x38;
	[tilespmem:$0x1B500] =	vst v63  }
0x3a: {  	_ =	swait.ge [sflag:s11], $0x9E00  }
0x3b: {  	[sflag:s11] =	ssyncset.done $0x0  }
0x3c: {  	[sflag:s11] =	ssyncadd.s32 $0xFFFF6200  }
0x3d: {  	_ =	sfence.sel $0x180000  }
0x3e: {  	[bflag:$0x0] =	sbarrier.arrive $0xFFFF  }
0x3f: {  	p0 =	sne.s32 s1, $0x0;
	_ =	strace $0x90000050  }
0x40: {  	s0 =	sadd.s32 @!p0 $0x100000, s0;
	[bflag:$0x2] =	sbarrier.arrive $0xFFFF  }
0x41: {  	[sflag:s0] =	ssyncadd.tile.s32 @!p0 $0x1;
	_ =	shalt  }
.Lfunc_end2:
_tile_overlayer_lowered:
.L_overlay_start_2:
0x42: {  	(tag) =	ssettag $0x2  }
0x43: {  	s0 =	rddreg [dreg:$0x0];
	s2 =	stileid.u32  }
0x44: {  	s1 =	rddreg [dreg:$0x1];
	p0 =	sne.s32 s2, $0x0  }
0x45: {  	s3 =	rddreg [dreg:$0x2];
	[bflag:$0x3] =	sbarrier.arrive $0xFFFF;
	s2 =	simm.s32 @!p0 $0x1C01  }
0x46: {  	[timem:s3], [sflag:s2] =	dma.local @!p0 [hbm:s0], s1  }
0x47: {  	s0 =	simm.s32 @!p0 $0x1  }
0x48: {  	_ =	swait.ge @!p0 [sflag:s0], s1  }
0x49: {  	s1 =	ssub.s32 @!p0 $0x0, s1;
	[sflag:s0] =	ssyncset.done @!p0 $0x0  }
0x4a: {  	[sflag:s0] =	ssyncadd.s32 @!p0 s1  }
0x4b: {  	[bflag:$0x3] =	sbarrier.arrive $0xFFFF  }
0x4c: {  	_ =	shalt  }

</sc_bundles>
